<compile_context>
chip_gen: v7x
topology: tpu7x:2x2x1
jax: 0.10.2.dev20260603
libtpu: 0.0.44.dev20260713+nightly
codegen_flags: <defaults>
</compile_context>

<pallas_src>
import jax
import jax.numpy as jnp
from jax import lax
from jax.experimental import pallas as pl
from jax.experimental.pallas import tpu as pltpu
from jax.experimental.pallas import tpu_sc as plsc

B, H, KVH, Dh = 16, 32, 8, 128
NUM_SLOTS, L = 32768, 2048
SCALE = 0.08838834764831845
GROUP = H // KVH
D = KVH * Dh
NEG = -1e30

NC, NS = 2, 16
CH = 16
MAXCH = (L // 2) // CH

L_BLK = 512
NBLK = L // L_BLK



def _sc_gather_body(kc_hbm, vc_hbm, af_hbm, ctx_hbm, kg_hbm, vg_hbm,
                    idx_v, ctx_v, kbuf, vbuf, gsem0, gsem1, wsem0, wsem1):
    cid = lax.axis_index("c")
    sid = lax.axis_index("s")
    wid = sid * NC + cid
    b = wid // 2
    j = wid % 2

    pltpu.sync_copy(ctx_hbm, ctx_v.at[pl.ds(0, NS)])
    ctx = ctx_v[pl.ds(b, NS)][0]

    half = jnp.minimum(((ctx + 1) // 2 + 7) // 8 * 8, L // 2)
    lo = j * half
    hi = jnp.where(j == 0, half, ctx)

    pltpu.sync_copy(af_hbm.at[pl.ds(b * L, L)], idx_v)

    row0 = b * L

    def chunk_base(i):
        return jnp.minimum(lo + i * CH, L - CH)

    def pred(i):
        return lo + i * CH < hi

    def start_gather(i, s):
        idx = idx_v.at[pl.ds(chunk_base(i), CH)]

        @pl.when(s == 0)
        def _():
            pltpu.make_async_copy(kc_hbm.at[idx], kbuf.at[0], gsem0).start()
            pltpu.make_async_copy(vc_hbm.at[idx], vbuf.at[0], gsem0).start()
        @pl.when(s == 1)
        def _():
            pltpu.make_async_copy(kc_hbm.at[idx], kbuf.at[1], gsem1).start()
            pltpu.make_async_copy(vc_hbm.at[idx], vbuf.at[1], gsem1).start()

    def wait_gather(s):
        idx0 = idx_v.at[pl.ds(0, CH)]

        @pl.when(s == 0)
        def _():
            pltpu.make_async_copy(kc_hbm.at[idx0], kbuf.at[0], gsem0).wait()
            pltpu.make_async_copy(vc_hbm.at[idx0], vbuf.at[0], gsem0).wait()
        @pl.when(s == 1)
        def _():
            pltpu.make_async_copy(kc_hbm.at[idx0], kbuf.at[1], gsem1).wait()
            pltpu.make_async_copy(vc_hbm.at[idx0], vbuf.at[1], gsem1).wait()

    def wait_wb(s):
        @pl.when(s == 0)
        def _():
            pltpu.make_async_copy(kbuf.at[0], kg_hbm.at[pl.ds(row0, CH)], wsem0).wait()
            pltpu.make_async_copy(vbuf.at[0], vg_hbm.at[pl.ds(row0, CH)], wsem0).wait()
        @pl.when(s == 1)
        def _():
            pltpu.make_async_copy(kbuf.at[1], kg_hbm.at[pl.ds(row0, CH)], wsem1).wait()
            pltpu.make_async_copy(vbuf.at[1], vg_hbm.at[pl.ds(row0, CH)], wsem1).wait()

    def start_wb(i, s):
        base = chunk_base(i)
        dstk = kg_hbm.at[pl.ds(row0 + base, CH)]
        dstv = vg_hbm.at[pl.ds(row0 + base, CH)]

        @pl.when(s == 0)
        def _():
            pltpu.make_async_copy(kbuf.at[0], dstk, wsem0).start()
            pltpu.make_async_copy(vbuf.at[0], dstv, wsem0).start()
        @pl.when(s == 1)
        def _():
            pltpu.make_async_copy(kbuf.at[1], dstk, wsem1).start()
            pltpu.make_async_copy(vbuf.at[1], dstv, wsem1).start()

    @pl.when(pred(0))
    def _prime():
        start_gather(0, 0)

    def body(i, _):
        s = i % 2

        @pl.when(pred(i))
        def _process():
            @pl.when(pred(i + 1))
            def _():
                @pl.when(i >= 1)
                def _():
                    wait_wb((i + 1) % 2)
                start_gather(i + 1, (i + 1) % 2)
            wait_gather(s)
            start_wb(i, s)
        return 0

    lax.fori_loop(0, MAXCH, body, 0)

    nv = jnp.maximum((hi - lo + CH - 1) // CH, 0)

    @pl.when(nv >= 2)
    def _():
        wait_wb((nv - 2) % 2)

    @pl.when(nv >= 1)
    def _():
        wait_wb((nv - 1) % 2)


def _sc_gather(kc3, vc3, af, context_lens):
    fn = pl.kernel(
        _sc_gather_body,
        out_type=(jax.ShapeDtypeStruct((B * L, KVH, Dh), jnp.float32),
                  jax.ShapeDtypeStruct((B * L, KVH, Dh), jnp.float32)),
        mesh=plsc.VectorSubcoreMesh(core_axis_name="c", subcore_axis_name="s",
                                    num_cores=NC, num_subcores=NS),
        scratch_types=[
            pltpu.VMEM((L,), jnp.int32),
            pltpu.VMEM((2 * NS,), jnp.int32),
            pltpu.VMEM((2, CH, KVH, Dh), jnp.float32),
            pltpu.VMEM((2, CH, KVH, Dh), jnp.float32),
            pltpu.SemaphoreType.DMA,
            pltpu.SemaphoreType.DMA,
            pltpu.SemaphoreType.DMA,
            pltpu.SemaphoreType.DMA,
        ],
    )
    return fn(kc3, vc3, af, context_lens)



def _attn_body(ctx_ref, q_ref, ids_ref, sm_ref, knew_ref, vnew_ref,
               kg_ref, vg_ref, o_ref, m_scr, s_scr, acc_scr, qk_scr):
    b = pl.program_id(0)
    c = pl.program_id(1)
    ctx = ctx_ref[b]
    nlast = (ctx + L_BLK - 1) // L_BLK - 1

    @pl.when(c == 0)
    def _init():
        m_scr[...] = jnp.full((H, 128), NEG, jnp.float32)
        s_scr[...] = jnp.zeros((H, 128), jnp.float32)
        acc_scr[...] = jnp.zeros((H, D), jnp.float32)
        qk_scr[...] = lax.dot_general(q_ref[0], knew_ref[...],
                                      (((1,), (1,)), ((), ())),
                                      preferred_element_type=jnp.float32)

    @pl.when(c <= nlast)
    def _compute():
        ids = ids_ref[0, 0]
        smv = sm_ref[...]
        onehot_t = (smv == ids).astype(jnp.float32)
        any_row = jnp.max(onehot_t, axis=0, keepdims=True)

        kg3 = kg_ref[0, 0]
        vg3 = vg_ref[0, 0]
        qb = q_ref[0]
        raw = lax.dot_general(qb[:, :Dh], kg3[:, 0, :], (((1,), (1,)), ((), ())),
                              preferred_element_type=jnp.float32)
        for hh in range(1, KVH):
            raw = raw + lax.dot_general(
                qb[:, hh * Dh:(hh + 1) * Dh], kg3[:, hh, :],
                (((1,), (1,)), ((), ())), preferred_element_type=jnp.float32)
        sel = lax.dot_general(qk_scr[...], onehot_t, (((1,), (0,)), ((), ())),
                              preferred_element_type=jnp.float32)
        logits = (raw * (1.0 - any_row) + sel) * SCALE
        cmask = lax.broadcasted_iota(jnp.int32, (1, L_BLK), 1) + c * L_BLK < ctx
        logits = jnp.where(cmask, logits, NEG)

        m_prev = m_scr[:, :1]
        m_new = jnp.maximum(m_prev, jnp.max(logits, axis=1, keepdims=True))
        alpha = jnp.exp(m_prev - m_new)
        p = jnp.exp(logits - m_new)
        s_new = s_scr[:, :1] * alpha + jnp.sum(p, axis=1, keepdims=True)
        m_scr[...] = jnp.broadcast_to(m_new, (H, 128))
        s_scr[...] = jnp.broadcast_to(s_new, (H, 128))

        pm = p * (1.0 - any_row)
        pvj = lax.dot_general(p, onehot_t, (((1,), (1,)), ((), ())),
                              preferred_element_type=jnp.float32)
        accn = lax.dot_general(pvj, vnew_ref[...], (((1,), (0,)), ((), ())),
                               preferred_element_type=jnp.float32)
        dnp = (((1,), (0,)), ((), ()))

        def pv_update(vsrc):
            for hh in range(KVH):
                sl = slice(hh * Dh, (hh + 1) * Dh)
                acc_scr[:, sl] = (acc_scr[:, sl] * alpha + accn[:, sl]
                                  + lax.dot_general(
                                      pm, vsrc(hh), dnp,
                                      preferred_element_type=jnp.float32))

        @pl.when(c < nlast)
        def _pv_full():
            pv_update(lambda hh: vg3[:, hh, :])

        @pl.when(c == nlast)
        def _pv_straddle():
            liota = lax.broadcasted_iota(jnp.int32, (L_BLK, 1), 0) + c * L_BLK
            pv_update(lambda hh: jnp.where(liota < ctx, vg3[:, hh, :], 0.0))

    @pl.when(c == NBLK - 1)
    def _fin():
        accv = acc_scr[...] / s_scr[:, :1]
        rowh = lax.broadcasted_iota(jnp.int32, (H, 1), 0) // GROUP
        o = jnp.zeros((H, Dh), jnp.float32)
        for hh in range(KVH):
            o = o + jnp.where(rowh == hh, accv[:, hh * Dh:(hh + 1) * Dh], 0.0)
        o_ref[0] = o


def _ceff(c, ctx):
    return jnp.minimum(c, jnp.maximum((ctx + L_BLK - 1) // L_BLK - 1, 0))


def _attn(context_lens, q_bd, active4, sm2, knew, vnew, kg5, vg5):
    grid_spec = pltpu.PrefetchScalarGridSpec(
        num_scalar_prefetch=1,
        grid=(B, NBLK),
        in_specs=[
            pl.BlockSpec((1, H, D), lambda b, c, ctx: (b, 0, 0)),
            pl.BlockSpec((1, 1, 1, L_BLK),
                         lambda b, c, ctx: (b, _ceff(c, ctx[b]), 0, 0)),
            pl.BlockSpec((16, 1), lambda b, c, ctx: (0, 0)),
            pl.BlockSpec((16, D), lambda b, c, ctx: (0, 0)),
            pl.BlockSpec((16, D), lambda b, c, ctx: (0, 0)),
            pl.BlockSpec((1, 1, L_BLK, KVH, Dh),
                         lambda b, c, ctx: (b, _ceff(c, ctx[b]), 0, 0, 0)),
            pl.BlockSpec((1, 1, L_BLK, KVH, Dh),
                         lambda b, c, ctx: (b, _ceff(c, ctx[b]), 0, 0, 0)),
        ],
        out_specs=pl.BlockSpec((1, H, Dh), lambda b, c, ctx: (b, 0, 0)),
        scratch_shapes=[
            pltpu.VMEM((H, 128), jnp.float32),
            pltpu.VMEM((H, 128), jnp.float32),
            pltpu.VMEM((H, D), jnp.float32),
            pltpu.VMEM((H, 16), jnp.float32),
        ],
    )
    return pl.pallas_call(
        _attn_body,
        grid_spec=grid_spec,
        out_shape=jax.ShapeDtypeStruct((B, H, Dh), jnp.float32),
        compiler_params=pltpu.CompilerParams(
            dimension_semantics=("parallel", "arbitrary")),
    )(context_lens, q_bd, active4, sm2, knew, vnew, kg5, vg5)


def _build_q_bd(q):
    q_tiled = jnp.tile(q, (1, 1, KVH))
    rowh = jnp.arange(H) // GROUP
    colh = jnp.arange(D) // Dh
    mask = (rowh[:, None] == colh[None, :]).astype(q.dtype)
    return q_tiled * mask[None]


def kernel(q, k, v, k_cache, v_cache, slot_mapping, active_slots, context_lens):
    af = active_slots.reshape(B * L)
    kg, vg = _sc_gather(k_cache, v_cache, af, context_lens)

    q_bd = _build_q_bd(q)
    active4 = active_slots.reshape(B, NBLK, 1, L_BLK)
    sm2 = slot_mapping.reshape(16, 1)
    knew = k.reshape(B, D)
    vnew = v.reshape(B, D)
    kg5 = kg.reshape(B, NBLK, L_BLK, KVH, Dh)
    vg5 = vg.reshape(B, NBLK, L_BLK, KVH, Dh)
    return _attn(context_lens, q_bd, active4, sm2, knew, vnew, kg5, vg5)

# --- scband reference (transcript-rebuilt; emitter-appended) ---
"""Pipeline reference for scband-attention-20117626814630 (READ-ONLY COPY).

The authoritative reference and input builder live on the scoring server;
editing this copy changes nothing except your own understanding.
"""

import jax, jax.numpy as jnp
import numpy as np

B, H, KVH, Dh = 16, 32, 8, 128
NUM_SLOTS, L = 32768, 2048
SCALE = 0.08838834764831845


def setup_inputs(seed: int = 0) -> dict:
    key = jax.random.key(seed)
    ks = jax.random.split(key, 8)
    q = jax.random.normal(ks[0], (B, H, Dh), dtype=jnp.float32)
    k = jax.random.normal(ks[1], (B, KVH, Dh), dtype=jnp.float32)
    v = jax.random.normal(ks[2], (B, KVH, Dh), dtype=jnp.float32)
    k_cache = jax.random.normal(ks[3], (NUM_SLOTS, KVH, Dh), dtype=jnp.float32)
    v_cache = jax.random.normal(ks[4], (NUM_SLOTS, KVH, Dh), dtype=jnp.float32)
    # distinct destination slots for the freshly-computed KV of this step
    slot_mapping = jax.random.permutation(ks[5], NUM_SLOTS)[:B].astype(jnp.int32)
    # per-request active (sparsely-selected) cache slots, as produced by the sparse controller
    active_slots = jax.random.randint(ks[6], (B, L), 0, NUM_SLOTS, dtype=jnp.int32)
    context_lens = jax.random.randint(ks[7], (B,), 1024, L + 1, dtype=jnp.int32)
    return {
        'q': q, 'k': k, 'v': v,
        'k_cache': k_cache, 'v_cache': v_cache,
        'slot_mapping': slot_mapping,
        'active_slots': active_slots,
        'context_lens': context_lens,
    }


def reference(q, k, v, k_cache, v_cache, slot_mapping, active_slots, context_lens):
    # 1) store_kvcache: scatter-overwrite the new K/V rows into the paged cache
    k_cache = k_cache.at[slot_mapping].set(k)
    v_cache = v_cache.at[slot_mapping].set(v)
    # 2) flash-decode over the sparse set of active slots (gather by slot index)
    k_g = jnp.take(k_cache, active_slots, axis=0)  # [B, L, KVH, Dh]
    v_g = jnp.take(v_cache, active_slots, axis=0)  # [B, L, KVH, Dh]
    group = H // KVH
    qg = q.reshape(B, KVH, group, Dh)              # GQA grouping
    logits = jnp.einsum('bkgd,blkd->bkgl', qg, k_g) * SCALE  # [B, KVH, G, L]
    mask = jnp.arange(L)[None, :] < context_lens[:, None]    # [B, L]
    logits = jnp.where(mask[:, None, None, :], logits, jnp.float32(-1e30))
    probs = jax.nn.softmax(logits, axis=-1)
    o = jnp.einsum('bkgl,blkd->bkgd', probs, v_g).reshape(B, H, Dh)
    return o

if __name__ == "__main__":
    import jax
    _d = setup_inputs()
    print(jax.jit(kernel)(*tuple(_d.values())))

</pallas_src>

<mosaic_0001>
#map = affine_map<(d0, d1) -> (0, 0, 0)>
#map1 = affine_map<(d0, d1) -> (0)>
module attributes {stable_mosaic.version = 14 : i64} {
  func.func @_sc_gather_body(%arg0: i32, %arg1: i32, %arg2: memref<32768x8x128xf32, #tpu.memory_space<hbm>>, %arg3: memref<32768x8x128xf32, #tpu.memory_space<hbm>>, %arg4: memref<32768xi32, #tpu.memory_space<hbm>>, %arg5: memref<16xi32, #tpu.memory_space<hbm>>, %arg6: memref<32768x8x128xf32, #tpu.memory_space<hbm>>, %arg7: memref<32768x8x128xf32, #tpu.memory_space<hbm>>, %arg8: memref<2048xi32, #tpu.memory_space<vmem>>, %arg9: memref<32xi32, #tpu.memory_space<vmem>>, %arg10: memref<2x16x8x128xf32, #tpu.memory_space<vmem>>, %arg11: memref<2x16x8x128xf32, #tpu.memory_space<vmem>>, %arg12: memref<!tpu.dma_semaphore, #tpu.memory_space<semaphore_mem>>, %arg13: memref<!tpu.dma_semaphore, #tpu.memory_space<semaphore_mem>>, %arg14: memref<!tpu.dma_semaphore, #tpu.memory_space<semaphore_mem>>, %arg15: memref<!tpu.dma_semaphore, #tpu.memory_space<semaphore_mem>>) attributes {dimension_semantics = [#tpu.dimension_semantics<core_parallel>, #tpu.dimension_semantics<subcore_parallel>], iteration_bounds = array<i64: 2, 16>, scalar_prefetch = 0 : i64, scratch_operands = 8 : i64, tpu.core_type = #tpu.core_type<sc_vector_subcore>, window_params = [{transform_indices = #map}, {transform_indices = #map}, {transform_indices = #map1}, {transform_indices = #map1}, {transform_indices = #map}, {transform_indices = #map}]} {
    %mul3A = arith.constant 2 : i32
    %mul3A_0 = arith.muli %arg1, %mul3A : i32
    %add3A = arith.addi %mul3A_0, %arg0 : i32
    %jit3A = arith.constant 2 : i32
    %div3A = arith.divsi %add3A, %jit3A : i32
    %sign3A = arith.constant 0 : i32
    %sign3A_1 = arith.cmpi sgt, %add3A, %sign3A : i32
    %sign3A_2 = arith.extui %sign3A_1 : i1 to i32
    %sign3A_3 = arith.constant 0 : i32
    %sign3A_4 = arith.cmpi slt, %add3A, %sign3A_3 : i32
    %sign3A_5 = arith.extui %sign3A_4 : i1 to i32
    %sign3A_6 = arith.subi %sign3A_2, %sign3A_5 : i32
    %sign3A_7 = arith.constant 0 : i32
    %sign3A_8 = arith.cmpi sgt, %jit3A, %sign3A_7 : i32
    %sign3A_9 = arith.extui %sign3A_8 : i1 to i32
    %sign3A_10 = arith.constant 0 : i32
    %sign3A_11 = arith.cmpi slt, %jit3A, %sign3A_10 : i32
    %sign3A_12 = arith.extui %sign3A_11 : i1 to i32
    %sign3A_13 = arith.subi %sign3A_9, %sign3A_12 : i32
    %ne3A = arith.cmpi ne, %sign3A_6, %sign3A_13 : i32
    %rem3A = arith.remsi %add3A, %jit3A : i32
    %ne3A_14 = arith.constant 0 : i32
    %ne3A_15 = arith.cmpi ne, %rem3A, %ne3A_14 : i32
    %and3A = arith.andi %ne3A, %ne3A_15 : i1
    %sub3A = arith.constant 1 : i32
    %sub3A_16 = arith.subi %div3A, %sub3A : i32
    %select_n3A = arith.select %and3A, %sub3A_16, %div3A : i32
    %jit3A_17 = arith.constant 2 : i32
    %eq3A = arith.constant 0 : i32
    %eq3A_18 = arith.cmpi eq, %jit3A_17, %eq3A : i32
    %jit3A_19 = arith.constant 1 : i32
    %select_n3A_20 = arith.select %eq3A_18, %jit3A_19, %jit3A_17 : i32
    %rem3A_21 = arith.remsi %add3A, %select_n3A_20 : i32
    %ne3A_22 = arith.constant 0 : i32
    %ne3A_23 = arith.cmpi ne, %rem3A_21, %ne3A_22 : i32
    %lt3A = arith.constant 0 : i32
    %lt3A_24 = arith.cmpi slt, %rem3A_21, %lt3A : i32
    %lt3A_25 = arith.constant 0 : i32
    %lt3A_26 = arith.cmpi slt, %select_n3A_20, %lt3A_25 : i32
    %ne3A_27 = arith.xori %lt3A_24, %lt3A_26 : i1
    %and3A_28 = arith.andi %ne3A_27, %ne3A_23 : i1
    %add3A_29 = arith.addi %rem3A_21, %select_n3A_20 : i32
    %select_n3A_30 = arith.select %and3A_28, %add3A_29, %rem3A_21 : i32
    "tpu.region"() ({
      %run_scoped3A = tpu.sem_alloc : memref<!tpu.dma_semaphore, #tpu.memory_space<semaphore_mem>>
      %dma_start3A = arith.constant 0 : i32
      %dma_start3A_145 = tpu.memref_slice %arg9[%dma_start3A] : memref<32xi32, #tpu.memory_space<vmem>> -> memref<16xi32, #tpu.memory_space<vmem>>
      %dma_start3A_146 = arith.constant 0 : i32
      %dma_start3A_147 = tpu.memref_slice %arg9[%dma_start3A_146] : memref<32xi32, #tpu.memory_space<vmem>> -> memref<16xi32, #tpu.memory_space<vmem>>
      tpu.enqueue_dma source(%arg5 : memref<16xi32, #tpu.memory_space<hbm>>) target(%dma_start3A_147 : memref<16xi32, #tpu.memory_space<vmem>>) target_semaphore(%run_scoped3A : memref<!tpu.dma_semaphore, #tpu.memory_space<semaphore_mem>>)
      %dma_wait3A = arith.constant 0 : i32
      %dma_wait3A_148 = tpu.memref_slice %arg9[%dma_wait3A] : memref<32xi32, #tpu.memory_space<vmem>> -> memref<16xi32, #tpu.memory_space<vmem>>
      %dma_wait3A_149 = arith.constant 0 : i32
      %dma_wait3A_150 = tpu.memref_slice %arg9[%dma_wait3A_149] : memref<32xi32, #tpu.memory_space<vmem>> -> memref<16xi32, #tpu.memory_space<vmem>>
      tpu.wait_dma2 semaphore(%run_scoped3A : memref<!tpu.dma_semaphore, #tpu.memory_space<semaphore_mem>>) src(%arg5 : memref<16xi32, #tpu.memory_space<hbm>>) dst(%dma_wait3A_150 : memref<16xi32, #tpu.memory_space<vmem>>)
      tpu.yield
    }) : () -> ()
    %get3A = arith.index_cast %select_n3A : i32 to index
    %get3A_31 = tpu.vector_load %arg9[%get3A] {strides = array<i32>} : memref<32xi32, #tpu.memory_space<vmem>>, vector<16xi32>,
    %get3A_32 = vector.shape_cast %get3A_31 : vector<16xi32> to vector<16xi32>
    %slice3A = vector.extract_strided_slice %get3A_32 {offsets = [0], sizes = [1], strides = [1]} : vector<16xi32> to vector<1xi32>
    %squeeze3A = vector.extract %slice3A[0] : i32 from vector<1xi32>
    %add3A_33 = arith.constant 1 : i32
    %add3A_34 = arith.addi %squeeze3A, %add3A_33 : i32
    %jit3A_35 = arith.constant 2 : i32
    %div3A_36 = arith.divsi %add3A_34, %jit3A_35 : i32
    %sign3A_37 = arith.constant 0 : i32
    %sign3A_38 = arith.cmpi sgt, %add3A_34, %sign3A_37 : i32
    %sign3A_39 = arith.extui %sign3A_38 : i1 to i32
    %sign3A_40 = arith.constant 0 : i32
    %sign3A_41 = arith.cmpi slt, %add3A_34, %sign3A_40 : i32
    %sign3A_42 = arith.extui %sign3A_41 : i1 to i32
    %sign3A_43 = arith.subi %sign3A_39, %sign3A_42 : i32
    %sign3A_44 = arith.constant 0 : i32
    %sign3A_45 = arith.cmpi sgt, %jit3A_35, %sign3A_44 : i32
    %sign3A_46 = arith.extui %sign3A_45 : i1 to i32
    %sign3A_47 = arith.constant 0 : i32
    %sign3A_48 = arith.cmpi slt, %jit3A_35, %sign3A_47 : i32
    %sign3A_49 = arith.extui %sign3A_48 : i1 to i32
    %sign3A_50 = arith.subi %sign3A_46, %sign3A_49 : i32
    %ne3A_51 = arith.cmpi ne, %sign3A_43, %sign3A_50 : i32
    %rem3A_52 = arith.remsi %add3A_34, %jit3A_35 : i32
    %ne3A_53 = arith.constant 0 : i32
    %ne3A_54 = arith.cmpi ne, %rem3A_52, %ne3A_53 : i32
    %and3A_55 = arith.andi %ne3A_51, %ne3A_54 : i1
    %sub3A_56 = arith.constant 1 : i32
    %sub3A_57 = arith.subi %div3A_36, %sub3A_56 : i32
    %select_n3A_58 = arith.select %and3A_55, %sub3A_57, %div3A_36 : i32
    %add3A_59 = arith.constant 7 : i32
    %add3A_60 = arith.addi %select_n3A_58, %add3A_59 : i32
    %jit3A_61 = arith.constant 8 : i32
    %div3A_62 = arith.divsi %add3A_60, %jit3A_61 : i32
    %sign3A_63 = arith.constant 0 : i32
    %sign3A_64 = arith.cmpi sgt, %add3A_60, %sign3A_63 : i32
    %sign3A_65 = arith.extui %sign3A_64 : i1 to i32
    %sign3A_66 = arith.constant 0 : i32
    %sign3A_67 = arith.cmpi slt, %add3A_60, %sign3A_66 : i32
    %sign3A_68 = arith.extui %sign3A_67 : i1 to i32
    %sign3A_69 = arith.subi %sign3A_65, %sign3A_68 : i32
    %sign3A_70 = arith.constant 0 : i32
    %sign3A_71 = arith.cmpi sgt, %jit3A_61, %sign3A_70 : i32
    %sign3A_72 = arith.extui %sign3A_71 : i1 to i32
    %sign3A_73 = arith.constant 0 : i32
    %sign3A_74 = arith.cmpi slt, %jit3A_61, %sign3A_73 : i32
    %sign3A_75 = arith.extui %sign3A_74 : i1 to i32
    %sign3A_76 = arith.subi %sign3A_72, %sign3A_75 : i32
    %ne3A_77 = arith.cmpi ne, %sign3A_69, %sign3A_76 : i32
    %rem3A_78 = arith.remsi %add3A_60, %jit3A_61 : i32
    %ne3A_79 = arith.constant 0 : i32
    %ne3A_80 = arith.cmpi ne, %rem3A_78, %ne3A_79 : i32
    %and3A_81 = arith.andi %ne3A_77, %ne3A_80 : i1
    %sub3A_82 = arith.constant 1 : i32
    %sub3A_83 = arith.subi %div3A_62, %sub3A_82 : i32
    %select_n3A_84 = arith.select %and3A_81, %sub3A_83, %div3A_62 : i32
    %mul3A_85 = arith.constant 8 : i32
    %mul3A_86 = arith.muli %select_n3A_84, %mul3A_85 : i32
    %min3A = arith.constant 1024 : i32
    %min3A_87 = arith.minsi %mul3A_86, %min3A : i32
    %mul3A_88 = arith.muli %select_n3A_30, %min3A_87 : i32
    %eq3A_89 = arith.constant 0 : i32
    %eq3A_90 = arith.cmpi eq, %select_n3A_30, %eq3A_89 : i32
    %select_n3A_91 = arith.select %eq3A_90, %min3A_87, %squeeze3A : i32
    %mul3A_92 = arith.constant 2048 : i32
    %mul3A_93 = arith.muli %select_n3A, %mul3A_92 : i32
    "tpu.region"() ({
      %run_scoped3A = tpu.sem_alloc : memref<!tpu.dma_semaphore, #tpu.memory_space<semaphore_mem>>
      %dma_start3A = tpu.memref_slice %arg4[%mul3A_93] : memref<32768xi32, #tpu.memory_space<hbm>> -> memref<2048xi32, #tpu.memory_space<hbm>>
      %dma_start3A_145 = tpu.memref_slice %arg4[%mul3A_93] : memref<32768xi32, #tpu.memory_space<hbm>> -> memref<2048xi32, #tpu.memory_space<hbm>>
      tpu.enqueue_dma source(%dma_start3A_145 : memref<2048xi32, #tpu.memory_space<hbm>>) target(%arg8 : memref<2048xi32, #tpu.memory_space<vmem>>) target_semaphore(%run_scoped3A : memref<!tpu.dma_semaphore, #tpu.memory_space<semaphore_mem>>)
      %dma_wait3A = tpu.memref_slice %arg4[%mul3A_93] : memref<32768xi32, #tpu.memory_space<hbm>> -> memref<2048xi32, #tpu.memory_space<hbm>>
      %dma_wait3A_146 = tpu.memref_slice %arg4[%mul3A_93] : memref<32768xi32, #tpu.memory_space<hbm>> -> memref<2048xi32, #tpu.memory_space<hbm>>
      tpu.wait_dma2 semaphore(%run_scoped3A : memref<!tpu.dma_semaphore, #tpu.memory_space<semaphore_mem>>) src(%dma_wait3A_146 : memref<2048xi32, #tpu.memory_space<hbm>>) dst(%arg8 : memref<2048xi32, #tpu.memory_space<vmem>>)
      tpu.yield
    }) : () -> ()
    %mul3A_94 = arith.constant 2048 : i32
    %mul3A_95 = arith.muli %select_n3A, %mul3A_94 : i32
    %add3A_96 = arith.constant 0 : i32
    %add3A_97 = arith.addi %mul3A_88, %add3A_96 : i32
    %lt3A_98 = arith.cmpi slt, %add3A_97, %select_n3A_91 : i32
    %convert_element_type3A = arith.extui %lt3A_98 : i1 to i32
    %cond3A = arith.constant 0 : i32
    %cond3A_99 = arith.cmpi ne, %convert_element_type3A, %cond3A : i32
    scf.if %cond3A_99 {
      %add3A_145 = arith.constant 0 : i32
      %add3A_146 = arith.addi %mul3A_88, %add3A_145 : i32
      %min3A_147 = arith.constant 2032 : i32
      %min3A_148 = arith.minsi %add3A_146, %min3A_147 : i32
      %dma_start3A = arith.constant 0 : i32
      %dma_start3A_149 = arith.constant 0 : i32
      %dma_start3A_150 = arith.constant 0 : i32
      %dma_start3A_151 = arith.constant 0 : i32
      %dma_start3A_152 = tpu.memref_slice %arg10[%dma_start3A, %dma_start3A_149, %dma_start3A_150, %dma_start3A_151] : memref<2x16x8x128xf32, #tpu.memory_space<vmem>> -> memref<1x16x8x128xf32, #tpu.memory_space<vmem>>
      %dma_start3A_153 = tpu.memref_squeeze %dma_start3A_152 : memref<1x16x8x128xf32, #tpu.memory_space<vmem>> -> memref<16x8x128xf32, #tpu.memory_space<vmem>>
      %dma_start3A_154 = tpu.memref_slice %arg8[%min3A_148] : memref<2048xi32, #tpu.memory_space<vmem>> -> memref<16xi32, #tpu.memory_space<vmem>>
      %dma_start3A_155 = arith.constant 0 : i32
      %dma_start3A_156 = arith.constant 0 : i32
      %dma_start3A_157 = arith.constant 0 : i32
      %dma_start3A_158 = tpu.memref_slice %arg2[%dma_start3A_155, %dma_start3A_156, %dma_start3A_157] : memref<32768x8x128xf32, #tpu.memory_space<hbm>> -> memref<32768x8x128xf32, #tpu.memory_space<hbm>>
      tpu.enqueue_indirect_dma source(%dma_start3A_158 : memref<32768x8x128xf32, #tpu.memory_space<hbm>>) target(%dma_start3A_153 : memref<16x8x128xf32, #tpu.memory_space<vmem>>) offsets(%dma_start3A_154 : memref<16xi32, #tpu.memory_space<vmem>>) semaphore(%arg12 : memref<!tpu.dma_semaphore, #tpu.memory_space<semaphore_mem>>)
      %dma_start3A_159 = arith.constant 0 : i32
      %dma_start3A_160 = arith.constant 0 : i32
      %dma_start3A_161 = arith.constant 0 : i32
      %dma_start3A_162 = arith.constant 0 : i32
      %dma_start3A_163 = tpu.memref_slice %arg11[%dma_start3A_159, %dma_start3A_160, %dma_start3A_161, %dma_start3A_162] : memref<2x16x8x128xf32, #tpu.memory_space<vmem>> -> memref<1x16x8x128xf32, #tpu.memory_space<vmem>>
      %dma_start3A_164 = tpu.memref_squeeze %dma_start3A_163 : memref<1x16x8x128xf32, #tpu.memory_space<vmem>> -> memref<16x8x128xf32, #tpu.memory_space<vmem>>
      %dma_start3A_165 = tpu.memref_slice %arg8[%min3A_148] : memref<2048xi32, #tpu.memory_space<vmem>> -> memref<16xi32, #tpu.memory_space<vmem>>
      %dma_start3A_166 = arith.constant 0 : i32
      %dma_start3A_167 = arith.constant 0 : i32
      %dma_start3A_168 = arith.constant 0 : i32
      %dma_start3A_169 = tpu.memref_slice %arg3[%dma_start3A_166, %dma_start3A_167, %dma_start3A_168] : memref<32768x8x128xf32, #tpu.memory_space<hbm>> -> memref<32768x8x128xf32, #tpu.memory_space<hbm>>
      tpu.enqueue_indirect_dma source(%dma_start3A_169 : memref<32768x8x128xf32, #tpu.memory_space<hbm>>) target(%dma_start3A_164 : memref<16x8x128xf32, #tpu.memory_space<vmem>>) offsets(%dma_start3A_165 : memref<16xi32, #tpu.memory_space<vmem>>) semaphore(%arg12 : memref<!tpu.dma_semaphore, #tpu.memory_space<semaphore_mem>>)
    } else {
    }
    %scan3A = arith.constant 0 : i32
    %scan3A_100 = arith.constant 0 : i32
    %scan3A_101 = arith.constant 64 : i32
    %scan3A_102 = arith.addi %scan3A_100, %scan3A_101 : i32
    %scan3A_103 = arith.constant 1 : i32
    %scan3A_104 = scf.for %scan3A_145 = %scan3A_100 to %scan3A_102 step %scan3A_103 iter_args(%scan3A_146 = %scan3A) -> (i32)  : i32 {
      %jit3A_147 = arith.constant 2 : i32
      %eq3A_148 = arith.constant 0 : i32
      %eq3A_149 = arith.cmpi eq, %jit3A_147, %eq3A_148 : i32
      %jit3A_150 = arith.constant 1 : i32
      %select_n3A_151 = arith.select %eq3A_149, %jit3A_150, %jit3A_147 : i32
      %rem3A_152 = arith.remsi %scan3A_145, %select_n3A_151 : i32
      %ne3A_153 = arith.constant 0 : i32
      %ne3A_154 = arith.cmpi ne, %rem3A_152, %ne3A_153 : i32
      %lt3A_155 = arith.constant 0 : i32
      %lt3A_156 = arith.cmpi slt, %rem3A_152, %lt3A_155 : i32
      %lt3A_157 = arith.constant 0 : i32
      %lt3A_158 = arith.cmpi slt, %select_n3A_151, %lt3A_157 : i32
      %ne3A_159 = arith.xori %lt3A_156, %lt3A_158 : i1
      %and3A_160 = arith.andi %ne3A_159, %ne3A_154 : i1
      %add3A_161 = arith.addi %rem3A_152, %select_n3A_151 : i32
      %select_n3A_162 = arith.select %and3A_160, %add3A_161, %rem3A_152 : i32
      %mul3A_163 = arith.constant 16 : i32
      %mul3A_164 = arith.muli %scan3A_145, %mul3A_163 : i32
      %add3A_165 = arith.addi %mul3A_88, %mul3A_164 : i32
      %lt3A_166 = arith.cmpi slt, %add3A_165, %select_n3A_91 : i32
      %convert_element_type3A_167 = arith.extui %lt3A_166 : i1 to i32
      %cond3A_168 = arith.constant 0 : i32
      %cond3A_169 = arith.cmpi ne, %convert_element_type3A_167, %cond3A_168 : i32
      scf.if %cond3A_169 {
        %add3A_171 = arith.constant 1 : i32
        %add3A_172 = arith.addi %scan3A_145, %add3A_171 : i32
        %mul3A_173 = arith.constant 16 : i32
        %mul3A_174 = arith.muli %add3A_172, %mul3A_173 : i32
        %add3A_175 = arith.addi %mul3A_88, %mul3A_174 : i32
        %lt3A_176 = arith.cmpi slt, %add3A_175, %select_n3A_91 : i32
        %convert_element_type3A_177 = arith.extui %lt3A_176 : i1 to i32
        %cond3A_178 = arith.constant 0 : i32
        %cond3A_179 = arith.cmpi ne, %convert_element_type3A_177, %cond3A_178 : i32
        scf.if %cond3A_179 {
          %ge3A_207 = arith.constant 1 : i32
          %ge3A_208 = arith.cmpi sge, %scan3A_145, %ge3A_207 : i32
          %convert_element_type3A_209 = arith.extui %ge3A_208 : i1 to i32
          %cond3A_210 = arith.constant 0 : i32
          %cond3A_211 = arith.cmpi ne, %convert_element_type3A_209, %cond3A_210 : i32
          scf.if %cond3A_211 {
            %add3A_247 = arith.constant 1 : i32
            %add3A_248 = arith.addi %scan3A_145, %add3A_247 : i32
            %jit3A_249 = arith.constant 2 : i32
            %eq3A_250 = arith.constant 0 : i32
            %eq3A_251 = arith.cmpi eq, %jit3A_249, %eq3A_250 : i32
            %jit3A_252 = arith.constant 1 : i32
            %select_n3A_253 = arith.select %eq3A_251, %jit3A_252, %jit3A_249 : i32
            %rem3A_254 = arith.remsi %add3A_248, %select_n3A_253 : i32
            %ne3A_255 = arith.constant 0 : i32
            %ne3A_256 = arith.cmpi ne, %rem3A_254, %ne3A_255 : i32
            %lt3A_257 = arith.constant 0 : i32
            %lt3A_258 = arith.cmpi slt, %rem3A_254, %lt3A_257 : i32
            %lt3A_259 = arith.constant 0 : i32
            %lt3A_260 = arith.cmpi slt, %select_n3A_253, %lt3A_259 : i32
            %ne3A_261 = arith.xori %lt3A_258, %lt3A_260 : i1
            %and3A_262 = arith.andi %ne3A_261, %ne3A_256 : i1
            %add3A_263 = arith.addi %rem3A_254, %select_n3A_253 : i32
            %select_n3A_264 = arith.select %and3A_262, %add3A_263, %rem3A_254 : i32
            %eq3A_265 = arith.constant 0 : i32
            %eq3A_266 = arith.cmpi eq, %select_n3A_264, %eq3A_265 : i32
            %convert_element_type3A_267 = arith.extui %eq3A_266 : i1 to i32
            %cond3A_268 = arith.constant 0 : i32
            %cond3A_269 = arith.cmpi ne, %convert_element_type3A_267, %cond3A_268 : i32
            scf.if %cond3A_269 {
              %dma_wait3A = arith.constant 0 : i32
              %dma_wait3A_275 = arith.constant 0 : i32
              %dma_wait3A_276 = arith.constant 0 : i32
              %dma_wait3A_277 = arith.constant 0 : i32
              %dma_wait3A_278 = tpu.memref_slice %arg10[%dma_wait3A, %dma_wait3A_275, %dma_wait3A_276, %dma_wait3A_277] : memref<2x16x8x128xf32, #tpu.memory_space<vmem>> -> memref<1x16x8x128xf32, #tpu.memory_space<vmem>>
              %dma_wait3A_279 = tpu.memref_squeeze %dma_wait3A_278 : memref<1x16x8x128xf32, #tpu.memory_space<vmem>> -> memref<16x8x128xf32, #tpu.memory_space<vmem>>
              %dma_wait3A_280 = arith.constant 0 : i32
              %dma_wait3A_281 = arith.constant 0 : i32
              %dma_wait3A_282 = tpu.memref_slice %arg6[%mul3A_95, %dma_wait3A_280, %dma_wait3A_281] : memref<32768x8x128xf32, #tpu.memory_space<hbm>> -> memref<16x8x128xf32, #tpu.memory_space<hbm>>
              %dma_wait3A_283 = arith.constant 0 : i32
              %dma_wait3A_284 = arith.constant 0 : i32
              %dma_wait3A_285 = tpu.memref_slice %arg6[%mul3A_95, %dma_wait3A_283, %dma_wait3A_284] : memref<32768x8x128xf32, #tpu.memory_space<hbm>> -> memref<16x8x128xf32, #tpu.memory_space<hbm>>
              %dma_wait3A_286 = arith.constant 0 : i32
              %dma_wait3A_287 = arith.constant 0 : i32
              %dma_wait3A_288 = arith.constant 0 : i32
              %dma_wait3A_289 = tpu.memref_slice %arg10[%dma_wait3A, %dma_wait3A_286, %dma_wait3A_287, %dma_wait3A_288] : memref<2x16x8x128xf32, #tpu.memory_space<vmem>> -> memref<1x16x8x128xf32, #tpu.memory_space<vmem>>
              %dma_wait3A_290 = tpu.memref_squeeze %dma_wait3A_289 : memref<1x16x8x128xf32, #tpu.memory_space<vmem>> -> memref<16x8x128xf32, #tpu.memory_space<vmem>>
              tpu.wait_dma2 semaphore(%arg14 : memref<!tpu.dma_semaphore, #tpu.memory_space<semaphore_mem>>) src(%dma_wait3A_290 : memref<16x8x128xf32, #tpu.memory_space<vmem>>) dst(%dma_wait3A_285 : memref<16x8x128xf32, #tpu.memory_space<hbm>>)
              %dma_wait3A_291 = arith.constant 0 : i32
              %dma_wait3A_292 = arith.constant 0 : i32
              %dma_wait3A_293 = arith.constant 0 : i32
              %dma_wait3A_294 = arith.constant 0 : i32
              %dma_wait3A_295 = tpu.memref_slice %arg11[%dma_wait3A_291, %dma_wait3A_292, %dma_wait3A_293, %dma_wait3A_294] : memref<2x16x8x128xf32, #tpu.memory_space<vmem>> -> memref<1x16x8x128xf32, #tpu.memory_space<vmem>>
              %dma_wait3A_296 = tpu.memref_squeeze %dma_wait3A_295 : memref<1x16x8x128xf32, #tpu.memory_space<vmem>> -> memref<16x8x128xf32, #tpu.memory_space<vmem>>
              %dma_wait3A_297 = arith.constant 0 : i32
              %dma_wait3A_298 = arith.constant 0 : i32
              %dma_wait3A_299 = tpu.memref_slice %arg7[%mul3A_95, %dma_wait3A_297, %dma_wait3A_298] : memref<32768x8x128xf32, #tpu.memory_space<hbm>> -> memref<16x8x128xf32, #tpu.memory_space<hbm>>
              %dma_wait3A_300 = arith.constant 0 : i32
              %dma_wait3A_301 = arith.constant 0 : i32
              %dma_wait3A_302 = tpu.memref_slice %arg7[%mul3A_95, %dma_wait3A_300, %dma_wait3A_301] : memref<32768x8x128xf32, #tpu.memory_space<hbm>> -> memref<16x8x128xf32, #tpu.memory_space<hbm>>
              %dma_wait3A_303 = arith.constant 0 : i32
              %dma_wait3A_304 = arith.constant 0 : i32
              %dma_wait3A_305 = arith.constant 0 : i32
              %dma_wait3A_306 = tpu.memref_slice %arg11[%dma_wait3A_291, %dma_wait3A_303, %dma_wait3A_304, %dma_wait3A_305] : memref<2x16x8x128xf32, #tpu.memory_space<vmem>> -> memref<1x16x8x128xf32, #tpu.memory_space<vmem>>
              %dma_wait3A_307 = tpu.memref_squeeze %dma_wait3A_306 : memref<1x16x8x128xf32, #tpu.memory_space<vmem>> -> memref<16x8x128xf32, #tpu.memory_space<vmem>>
              tpu.wait_dma2 semaphore(%arg14 : memref<!tpu.dma_semaphore, #tpu.memory_space<semaphore_mem>>) src(%dma_wait3A_307 : memref<16x8x128xf32, #tpu.memory_space<vmem>>) dst(%dma_wait3A_302 : memref<16x8x128xf32, #tpu.memory_space<hbm>>)
            } else {
            }
            %eq3A_270 = arith.constant 1 : i32
            %eq3A_271 = arith.cmpi eq, %select_n3A_264, %eq3A_270 : i32
            %convert_element_type3A_272 = arith.extui %eq3A_271 : i1 to i32
            %cond3A_273 = arith.constant 0 : i32
            %cond3A_274 = arith.cmpi ne, %convert_element_type3A_272, %cond3A_273 : i32
            scf.if %cond3A_274 {
              %dma_wait3A = arith.constant 1 : i32
              %dma_wait3A_275 = arith.constant 0 : i32
              %dma_wait3A_276 = arith.constant 0 : i32
              %dma_wait3A_277 = arith.constant 0 : i32
              %dma_wait3A_278 = tpu.memref_slice %arg10[%dma_wait3A, %dma_wait3A_275, %dma_wait3A_276, %dma_wait3A_277] : memref<2x16x8x128xf32, #tpu.memory_space<vmem>> -> memref<1x16x8x128xf32, #tpu.memory_space<vmem>>
              %dma_wait3A_279 = tpu.memref_squeeze %dma_wait3A_278 : memref<1x16x8x128xf32, #tpu.memory_space<vmem>> -> memref<16x8x128xf32, #tpu.memory_space<vmem>>
              %dma_wait3A_280 = arith.constant 0 : i32
              %dma_wait3A_281 = arith.constant 0 : i32
              %dma_wait3A_282 = tpu.memref_slice %arg6[%mul3A_95, %dma_wait3A_280, %dma_wait3A_281] : memref<32768x8x128xf32, #tpu.memory_space<hbm>> -> memref<16x8x128xf32, #tpu.memory_space<hbm>>
              %dma_wait3A_283 = arith.constant 0 : i32
              %dma_wait3A_284 = arith.constant 0 : i32
              %dma_wait3A_285 = tpu.memref_slice %arg6[%mul3A_95, %dma_wait3A_283, %dma_wait3A_284] : memref<32768x8x128xf32, #tpu.memory_space<hbm>> -> memref<16x8x128xf32, #tpu.memory_space<hbm>>
              %dma_wait3A_286 = arith.constant 0 : i32
              %dma_wait3A_287 = arith.constant 0 : i32
              %dma_wait3A_288 = arith.constant 0 : i32
              %dma_wait3A_289 = tpu.memref_slice %arg10[%dma_wait3A, %dma_wait3A_286, %dma_wait3A_287, %dma_wait3A_288] : memref<2x16x8x128xf32, #tpu.memory_space<vmem>> -> memref<1x16x8x128xf32, #tpu.memory_space<vmem>>
              %dma_wait3A_290 = tpu.memref_squeeze %dma_wait3A_289 : memref<1x16x8x128xf32, #tpu.memory_space<vmem>> -> memref<16x8x128xf32, #tpu.memory_space<vmem>>
              tpu.wait_dma2 semaphore(%arg15 : memref<!tpu.dma_semaphore, #tpu.memory_space<semaphore_mem>>) src(%dma_wait3A_290 : memref<16x8x128xf32, #tpu.memory_space<vmem>>) dst(%dma_wait3A_285 : memref<16x8x128xf32, #tpu.memory_space<hbm>>)
              %dma_wait3A_291 = arith.constant 1 : i32
              %dma_wait3A_292 = arith.constant 0 : i32
              %dma_wait3A_293 = arith.constant 0 : i32
              %dma_wait3A_294 = arith.constant 0 : i32
              %dma_wait3A_295 = tpu.memref_slice %arg11[%dma_wait3A_291, %dma_wait3A_292, %dma_wait3A_293, %dma_wait3A_294] : memref<2x16x8x128xf32, #tpu.memory_space<vmem>> -> memref<1x16x8x128xf32, #tpu.memory_space<vmem>>
              %dma_wait3A_296 = tpu.memref_squeeze %dma_wait3A_295 : memref<1x16x8x128xf32, #tpu.memory_space<vmem>> -> memref<16x8x128xf32, #tpu.memory_space<vmem>>
              %dma_wait3A_297 = arith.constant 0 : i32
              %dma_wait3A_298 = arith.constant 0 : i32
              %dma_wait3A_299 = tpu.memref_slice %arg7[%mul3A_95, %dma_wait3A_297, %dma_wait3A_298] : memref<32768x8x128xf32, #tpu.memory_space<hbm>> -> memref<16x8x128xf32, #tpu.memory_space<hbm>>
              %dma_wait3A_300 = arith.constant 0 : i32
              %dma_wait3A_301 = arith.constant 0 : i32
              %dma_wait3A_302 = tpu.memref_slice %arg7[%mul3A_95, %dma_wait3A_300, %dma_wait3A_301] : memref<32768x8x128xf32, #tpu.memory_space<hbm>> -> memref<16x8x128xf32, #tpu.memory_space<hbm>>
              %dma_wait3A_303 = arith.constant 0 : i32
              %dma_wait3A_304 = arith.constant 0 : i32
              %dma_wait3A_305 = arith.constant 0 : i32
              %dma_wait3A_306 = tpu.memref_slice %arg11[%dma_wait3A_291, %dma_wait3A_303, %dma_wait3A_304, %dma_wait3A_305] : memref<2x16x8x128xf32, #tpu.memory_space<vmem>> -> memref<1x16x8x128xf32, #tpu.memory_space<vmem>>
              %dma_wait3A_307 = tpu.memref_squeeze %dma_wait3A_306 : memref<1x16x8x128xf32, #tpu.memory_space<vmem>> -> memref<16x8x128xf32, #tpu.memory_space<vmem>>
              tpu.wait_dma2 semaphore(%arg15 : memref<!tpu.dma_semaphore, #tpu.memory_space<semaphore_mem>>) src(%dma_wait3A_307 : memref<16x8x128xf32, #tpu.memory_space<vmem>>) dst(%dma_wait3A_302 : memref<16x8x128xf32, #tpu.memory_space<hbm>>)
            } else {
            }
          } else {
          }
          %add3A_212 = arith.constant 1 : i32
          %add3A_213 = arith.addi %scan3A_145, %add3A_212 : i32
          %add3A_214 = arith.constant 1 : i32
          %add3A_215 = arith.addi %scan3A_145, %add3A_214 : i32
          %jit3A_216 = arith.constant 2 : i32
          %eq3A_217 = arith.constant 0 : i32
          %eq3A_218 = arith.cmpi eq, %jit3A_216, %eq3A_217 : i32
          %jit3A_219 = arith.constant 1 : i32
          %select_n3A_220 = arith.select %eq3A_218, %jit3A_219, %jit3A_216 : i32
          %rem3A_221 = arith.remsi %add3A_215, %select_n3A_220 : i32
          %ne3A_222 = arith.constant 0 : i32
          %ne3A_223 = arith.cmpi ne, %rem3A_221, %ne3A_222 : i32
          %lt3A_224 = arith.constant 0 : i32
          %lt3A_225 = arith.cmpi slt, %rem3A_221, %lt3A_224 : i32
          %lt3A_226 = arith.constant 0 : i32
          %lt3A_227 = arith.cmpi slt, %select_n3A_220, %lt3A_226 : i32
          %ne3A_228 = arith.xori %lt3A_225, %lt3A_227 : i1
          %and3A_229 = arith.andi %ne3A_228, %ne3A_223 : i1
          %add3A_230 = arith.addi %rem3A_221, %select_n3A_220 : i32
          %select_n3A_231 = arith.select %and3A_229, %add3A_230, %rem3A_221 : i32
          %mul3A_232 = arith.constant 16 : i32
          %mul3A_233 = arith.muli %add3A_213, %mul3A_232 : i32
          %add3A_234 = arith.addi %mul3A_88, %mul3A_233 : i32
          %min3A_235 = arith.constant 2032 : i32
          %min3A_236 = arith.minsi %add3A_234, %min3A_235 : i32
          %eq3A_237 = arith.constant 0 : i32
          %eq3A_238 = arith.cmpi eq, %select_n3A_231, %eq3A_237 : i32
          %convert_element_type3A_239 = arith.extui %eq3A_238 : i1 to i32
          %cond3A_240 = arith.constant 0 : i32
          %cond3A_241 = arith.cmpi ne, %convert_element_type3A_239, %cond3A_240 : i32
          scf.if %cond3A_241 {
            %dma_start3A = arith.constant 0 : i32
            %dma_start3A_247 = arith.constant 0 : i32
            %dma_start3A_248 = arith.constant 0 : i32
            %dma_start3A_249 = arith.constant 0 : i32
            %dma_start3A_250 = tpu.memref_slice %arg10[%dma_start3A, %dma_start3A_247, %dma_start3A_248, %dma_start3A_249] : memref<2x16x8x128xf32, #tpu.memory_space<vmem>> -> memref<1x16x8x128xf32, #tpu.memory_space<vmem>>
            %dma_start3A_251 = tpu.memref_squeeze %dma_start3A_250 : memref<1x16x8x128xf32, #tpu.memory_space<vmem>> -> memref<16x8x128xf32, #tpu.memory_space<vmem>>
            %dma_start3A_252 = tpu.memref_slice %arg8[%min3A_236] : memref<2048xi32, #tpu.memory_space<vmem>> -> memref<16xi32, #tpu.memory_space<vmem>>
            %dma_start3A_253 = arith.constant 0 : i32
            %dma_start3A_254 = arith.constant 0 : i32
            %dma_start3A_255 = arith.constant 0 : i32
            %dma_start3A_256 = tpu.memref_slice %arg2[%dma_start3A_253, %dma_start3A_254, %dma_start3A_255] : memref<32768x8x128xf32, #tpu.memory_space<hbm>> -> memref<32768x8x128xf32, #tpu.memory_space<hbm>>
            tpu.enqueue_indirect_dma source(%dma_start3A_256 : memref<32768x8x128xf32, #tpu.memory_space<hbm>>) target(%dma_start3A_251 : memref<16x8x128xf32, #tpu.memory_space<vmem>>) offsets(%dma_start3A_252 : memref<16xi32, #tpu.memory_space<vmem>>) semaphore(%arg12 : memref<!tpu.dma_semaphore, #tpu.memory_space<semaphore_mem>>)
            %dma_start3A_257 = arith.constant 0 : i32
            %dma_start3A_258 = arith.constant 0 : i32
            %dma_start3A_259 = arith.constant 0 : i32
            %dma_start3A_260 = arith.constant 0 : i32
            %dma_start3A_261 = tpu.memref_slice %arg11[%dma_start3A_257, %dma_start3A_258, %dma_start3A_259, %dma_start3A_260] : memref<2x16x8x128xf32, #tpu.memory_space<vmem>> -> memref<1x16x8x128xf32, #tpu.memory_space<vmem>>
            %dma_start3A_262 = tpu.memref_squeeze %dma_start3A_261 : memref<1x16x8x128xf32, #tpu.memory_space<vmem>> -> memref<16x8x128xf32, #tpu.memory_space<vmem>>
            %dma_start3A_263 = tpu.memref_slice %arg8[%min3A_236] : memref<2048xi32, #tpu.memory_space<vmem>> -> memref<16xi32, #tpu.memory_space<vmem>>
            %dma_start3A_264 = arith.constant 0 : i32
            %dma_start3A_265 = arith.constant 0 : i32
            %dma_start3A_266 = arith.constant 0 : i32
            %dma_start3A_267 = tpu.memref_slice %arg3[%dma_start3A_264, %dma_start3A_265, %dma_start3A_266] : memref<32768x8x128xf32, #tpu.memory_space<hbm>> -> memref<32768x8x128xf32, #tpu.memory_space<hbm>>
            tpu.enqueue_indirect_dma source(%dma_start3A_267 : memref<32768x8x128xf32, #tpu.memory_space<hbm>>) target(%dma_start3A_262 : memref<16x8x128xf32, #tpu.memory_space<vmem>>) offsets(%dma_start3A_263 : memref<16xi32, #tpu.memory_space<vmem>>) semaphore(%arg12 : memref<!tpu.dma_semaphore, #tpu.memory_space<semaphore_mem>>)
          } else {
          }
          %eq3A_242 = arith.constant 1 : i32
          %eq3A_243 = arith.cmpi eq, %select_n3A_231, %eq3A_242 : i32
          %convert_element_type3A_244 = arith.extui %eq3A_243 : i1 to i32
          %cond3A_245 = arith.constant 0 : i32
          %cond3A_246 = arith.cmpi ne, %convert_element_type3A_244, %cond3A_245 : i32
          scf.if %cond3A_246 {
            %dma_start3A = arith.constant 1 : i32
            %dma_start3A_247 = arith.constant 0 : i32
            %dma_start3A_248 = arith.constant 0 : i32
            %dma_start3A_249 = arith.constant 0 : i32
            %dma_start3A_250 = tpu.memref_slice %arg10[%dma_start3A, %dma_start3A_247, %dma_start3A_248, %dma_start3A_249] : memref<2x16x8x128xf32, #tpu.memory_space<vmem>> -> memref<1x16x8x128xf32, #tpu.memory_space<vmem>>
            %dma_start3A_251 = tpu.memref_squeeze %dma_start3A_250 : memref<1x16x8x128xf32, #tpu.memory_space<vmem>> -> memref<16x8x128xf32, #tpu.memory_space<vmem>>
            %dma_start3A_252 = tpu.memref_slice %arg8[%min3A_236] : memref<2048xi32, #tpu.memory_space<vmem>> -> memref<16xi32, #tpu.memory_space<vmem>>
            %dma_start3A_253 = arith.constant 0 : i32
            %dma_start3A_254 = arith.constant 0 : i32
            %dma_start3A_255 = arith.constant 0 : i32
            %dma_start3A_256 = tpu.memref_slice %arg2[%dma_start3A_253, %dma_start3A_254, %dma_start3A_255] : memref<32768x8x128xf32, #tpu.memory_space<hbm>> -> memref<32768x8x128xf32, #tpu.memory_space<hbm>>
            tpu.enqueue_indirect_dma source(%dma_start3A_256 : memref<32768x8x128xf32, #tpu.memory_space<hbm>>) target(%dma_start3A_251 : memref<16x8x128xf32, #tpu.memory_space<vmem>>) offsets(%dma_start3A_252 : memref<16xi32, #tpu.memory_space<vmem>>) semaphore(%arg13 : memref<!tpu.dma_semaphore, #tpu.memory_space<semaphore_mem>>)
            %dma_start3A_257 = arith.constant 1 : i32
            %dma_start3A_258 = arith.constant 0 : i32
            %dma_start3A_259 = arith.constant 0 : i32
            %dma_start3A_260 = arith.constant 0 : i32
            %dma_start3A_261 = tpu.memref_slice %arg11[%dma_start3A_257, %dma_start3A_258, %dma_start3A_259, %dma_start3A_260] : memref<2x16x8x128xf32, #tpu.memory_space<vmem>> -> memref<1x16x8x128xf32, #tpu.memory_space<vmem>>
            %dma_start3A_262 = tpu.memref_squeeze %dma_start3A_261 : memref<1x16x8x128xf32, #tpu.memory_space<vmem>> -> memref<16x8x128xf32, #tpu.memory_space<vmem>>
            %dma_start3A_263 = tpu.memref_slice %arg8[%min3A_236] : memref<2048xi32, #tpu.memory_space<vmem>> -> memref<16xi32, #tpu.memory_space<vmem>>
            %dma_start3A_264 = arith.constant 0 : i32
            %dma_start3A_265 = arith.constant 0 : i32
            %dma_start3A_266 = arith.constant 0 : i32
            %dma_start3A_267 = tpu.memref_slice %arg3[%dma_start3A_264, %dma_start3A_265, %dma_start3A_266] : memref<32768x8x128xf32, #tpu.memory_space<hbm>> -> memref<32768x8x128xf32, #tpu.memory_space<hbm>>
            tpu.enqueue_indirect_dma source(%dma_start3A_267 : memref<32768x8x128xf32, #tpu.memory_space<hbm>>) target(%dma_start3A_262 : memref<16x8x128xf32, #tpu.memory_space<vmem>>) offsets(%dma_start3A_263 : memref<16xi32, #tpu.memory_space<vmem>>) semaphore(%arg13 : memref<!tpu.dma_semaphore, #tpu.memory_space<semaphore_mem>>)
          } else {
          }
        } else {
        }
        %eq3A_180 = arith.constant 0 : i32
        %eq3A_181 = arith.cmpi eq, %select_n3A_162, %eq3A_180 : i32
        %convert_element_type3A_182 = arith.extui %eq3A_181 : i1 to i32
        %cond3A_183 = arith.constant 0 : i32
        %cond3A_184 = arith.cmpi ne, %convert_element_type3A_182, %cond3A_183 : i32
        scf.if %cond3A_184 {
          %dma_wait3A = arith.constant 0 : i32
          %dma_wait3A_207 = arith.constant 0 : i32
          %dma_wait3A_208 = arith.constant 0 : i32
          %dma_wait3A_209 = arith.constant 0 : i32
          %dma_wait3A_210 = tpu.memref_slice %arg10[%dma_wait3A, %dma_wait3A_207, %dma_wait3A_208, %dma_wait3A_209] : memref<2x16x8x128xf32, #tpu.memory_space<vmem>> -> memref<1x16x8x128xf32, #tpu.memory_space<vmem>>
          %dma_wait3A_211 = tpu.memref_squeeze %dma_wait3A_210 : memref<1x16x8x128xf32, #tpu.memory_space<vmem>> -> memref<16x8x128xf32, #tpu.memory_space<vmem>>
          %dma_wait3A_212 = arith.constant 0 : i32
          %dma_wait3A_213 = tpu.memref_slice %arg8[%dma_wait3A_212] : memref<2048xi32, #tpu.memory_space<vmem>> -> memref<16xi32, #tpu.memory_space<vmem>>
          %dma_wait3A_214 = arith.constant 0 : i32
          %dma_wait3A_215 = arith.constant 0 : i32
          %dma_wait3A_216 = arith.constant 0 : i32
          %dma_wait3A_217 = tpu.memref_slice %arg2[%dma_wait3A_214, %dma_wait3A_215, %dma_wait3A_216] : memref<32768x8x128xf32, #tpu.memory_space<hbm>> -> memref<32768x8x128xf32, #tpu.memory_space<hbm>>
          tpu.wait_indirect_dma semaphore(%arg12 : memref<!tpu.dma_semaphore, #tpu.memory_space<semaphore_mem>>) src(%dma_wait3A_217 : memref<32768x8x128xf32, #tpu.memory_space<hbm>>) dst(%dma_wait3A_211 : memref<16x8x128xf32, #tpu.memory_space<vmem>>)
          %dma_wait3A_218 = arith.constant 0 : i32
          %dma_wait3A_219 = arith.constant 0 : i32
          %dma_wait3A_220 = arith.constant 0 : i32
          %dma_wait3A_221 = arith.constant 0 : i32
          %dma_wait3A_222 = tpu.memref_slice %arg11[%dma_wait3A_218, %dma_wait3A_219, %dma_wait3A_220, %dma_wait3A_221] : memref<2x16x8x128xf32, #tpu.memory_space<vmem>> -> memref<1x16x8x128xf32, #tpu.memory_space<vmem>>
          %dma_wait3A_223 = tpu.memref_squeeze %dma_wait3A_222 : memref<1x16x8x128xf32, #tpu.memory_space<vmem>> -> memref<16x8x128xf32, #tpu.memory_space<vmem>>
          %dma_wait3A_224 = arith.constant 0 : i32
          %dma_wait3A_225 = tpu.memref_slice %arg8[%dma_wait3A_224] : memref<2048xi32, #tpu.memory_space<vmem>> -> memref<16xi32, #tpu.memory_space<vmem>>
          %dma_wait3A_226 = arith.constant 0 : i32
          %dma_wait3A_227 = arith.constant 0 : i32
          %dma_wait3A_228 = arith.constant 0 : i32
          %dma_wait3A_229 = tpu.memref_slice %arg3[%dma_wait3A_226, %dma_wait3A_227, %dma_wait3A_228] : memref<32768x8x128xf32, #tpu.memory_space<hbm>> -> memref<32768x8x128xf32, #tpu.memory_space<hbm>>
          tpu.wait_indirect_dma semaphore(%arg12 : memref<!tpu.dma_semaphore, #tpu.memory_space<semaphore_mem>>) src(%dma_wait3A_229 : memref<32768x8x128xf32, #tpu.memory_space<hbm>>) dst(%dma_wait3A_223 : memref<16x8x128xf32, #tpu.memory_space<vmem>>)
        } else {
        }
        %eq3A_185 = arith.constant 1 : i32
        %eq3A_186 = arith.cmpi eq, %select_n3A_162, %eq3A_185 : i32
        %convert_element_type3A_187 = arith.extui %eq3A_186 : i1 to i32
        %cond3A_188 = arith.constant 0 : i32
        %cond3A_189 = arith.cmpi ne, %convert_element_type3A_187, %cond3A_188 : i32
        scf.if %cond3A_189 {
          %dma_wait3A = arith.constant 1 : i32
          %dma_wait3A_207 = arith.constant 0 : i32
          %dma_wait3A_208 = arith.constant 0 : i32
          %dma_wait3A_209 = arith.constant 0 : i32
          %dma_wait3A_210 = tpu.memref_slice %arg10[%dma_wait3A, %dma_wait3A_207, %dma_wait3A_208, %dma_wait3A_209] : memref<2x16x8x128xf32, #tpu.memory_space<vmem>> -> memref<1x16x8x128xf32, #tpu.memory_space<vmem>>
          %dma_wait3A_211 = tpu.memref_squeeze %dma_wait3A_210 : memref<1x16x8x128xf32, #tpu.memory_space<vmem>> -> memref<16x8x128xf32, #tpu.memory_space<vmem>>
          %dma_wait3A_212 = arith.constant 0 : i32
          %dma_wait3A_213 = tpu.memref_slice %arg8[%dma_wait3A_212] : memref<2048xi32, #tpu.memory_space<vmem>> -> memref<16xi32, #tpu.memory_space<vmem>>
          %dma_wait3A_214 = arith.constant 0 : i32
          %dma_wait3A_215 = arith.constant 0 : i32
          %dma_wait3A_216 = arith.constant 0 : i32
          %dma_wait3A_217 = tpu.memref_slice %arg2[%dma_wait3A_214, %dma_wait3A_215, %dma_wait3A_216] : memref<32768x8x128xf32, #tpu.memory_space<hbm>> -> memref<32768x8x128xf32, #tpu.memory_space<hbm>>
          tpu.wait_indirect_dma semaphore(%arg13 : memref<!tpu.dma_semaphore, #tpu.memory_space<semaphore_mem>>) src(%dma_wait3A_217 : memref<32768x8x128xf32, #tpu.memory_space<hbm>>) dst(%dma_wait3A_211 : memref<16x8x128xf32, #tpu.memory_space<vmem>>)
          %dma_wait3A_218 = arith.constant 1 : i32
          %dma_wait3A_219 = arith.constant 0 : i32
          %dma_wait3A_220 = arith.constant 0 : i32
          %dma_wait3A_221 = arith.constant 0 : i32
          %dma_wait3A_222 = tpu.memref_slice %arg11[%dma_wait3A_218, %dma_wait3A_219, %dma_wait3A_220, %dma_wait3A_221] : memref<2x16x8x128xf32, #tpu.memory_space<vmem>> -> memref<1x16x8x128xf32, #tpu.memory_space<vmem>>
          %dma_wait3A_223 = tpu.memref_squeeze %dma_wait3A_222 : memref<1x16x8x128xf32, #tpu.memory_space<vmem>> -> memref<16x8x128xf32, #tpu.memory_space<vmem>>
          %dma_wait3A_224 = arith.constant 0 : i32
          %dma_wait3A_225 = tpu.memref_slice %arg8[%dma_wait3A_224] : memref<2048xi32, #tpu.memory_space<vmem>> -> memref<16xi32, #tpu.memory_space<vmem>>
          %dma_wait3A_226 = arith.constant 0 : i32
          %dma_wait3A_227 = arith.constant 0 : i32
          %dma_wait3A_228 = arith.constant 0 : i32
          %dma_wait3A_229 = tpu.memref_slice %arg3[%dma_wait3A_226, %dma_wait3A_227, %dma_wait3A_228] : memref<32768x8x128xf32, #tpu.memory_space<hbm>> -> memref<32768x8x128xf32, #tpu.memory_space<hbm>>
          tpu.wait_indirect_dma semaphore(%arg13 : memref<!tpu.dma_semaphore, #tpu.memory_space<semaphore_mem>>) src(%dma_wait3A_229 : memref<32768x8x128xf32, #tpu.memory_space<hbm>>) dst(%dma_wait3A_223 : memref<16x8x128xf32, #tpu.memory_space<vmem>>)
        } else {
        }
        %mul3A_190 = arith.constant 16 : i32
        %mul3A_191 = arith.muli %scan3A_145, %mul3A_190 : i32
        %add3A_192 = arith.addi %mul3A_88, %mul3A_191 : i32
        %min3A_193 = arith.constant 2032 : i32
        %min3A_194 = arith.minsi %add3A_192, %min3A_193 : i32
        %add3A_195 = arith.addi %mul3A_95, %min3A_194 : i32
        %add3A_196 = arith.addi %mul3A_95, %min3A_194 : i32
        %eq3A_197 = arith.constant 0 : i32
        %eq3A_198 = arith.cmpi eq, %select_n3A_162, %eq3A_197 : i32
        %convert_element_type3A_199 = arith.extui %eq3A_198 : i1 to i32
        %cond3A_200 = arith.constant 0 : i32
        %cond3A_201 = arith.cmpi ne, %convert_element_type3A_199, %cond3A_200 : i32
        scf.if %cond3A_201 {
          %dma_start3A = arith.constant 0 : i32
          %dma_start3A_207 = arith.constant 0 : i32
          %dma_start3A_208 = arith.constant 0 : i32
          %dma_start3A_209 = arith.constant 0 : i32
          %dma_start3A_210 = tpu.memref_slice %arg10[%dma_start3A, %dma_start3A_207, %dma_start3A_208, %dma_start3A_209] : memref<2x16x8x128xf32, #tpu.memory_space<vmem>> -> memref<1x16x8x128xf32, #tpu.memory_space<vmem>>
          %dma_start3A_211 = tpu.memref_squeeze %dma_start3A_210 : memref<1x16x8x128xf32, #tpu.memory_space<vmem>> -> memref<16x8x128xf32, #tpu.memory_space<vmem>>
          %dma_start3A_212 = arith.constant 0 : i32
          %dma_start3A_213 = arith.constant 0 : i32
          %dma_start3A_214 = tpu.memref_slice %arg6[%add3A_195, %dma_start3A_212, %dma_start3A_213] : memref<32768x8x128xf32, #tpu.memory_space<hbm>> -> memref<16x8x128xf32, #tpu.memory_space<hbm>>
          %dma_start3A_215 = arith.constant 0 : i32
          %dma_start3A_216 = arith.constant 0 : i32
          %dma_start3A_217 = tpu.memref_slice %arg6[%add3A_195, %dma_start3A_215, %dma_start3A_216] : memref<32768x8x128xf32, #tpu.memory_space<hbm>> -> memref<16x8x128xf32, #tpu.memory_space<hbm>>
          %dma_start3A_218 = arith.constant 0 : i32
          %dma_start3A_219 = arith.constant 0 : i32
          %dma_start3A_220 = arith.constant 0 : i32
          %dma_start3A_221 = tpu.memref_slice %arg10[%dma_start3A, %dma_start3A_218, %dma_start3A_219, %dma_start3A_220] : memref<2x16x8x128xf32, #tpu.memory_space<vmem>> -> memref<1x16x8x128xf32, #tpu.memory_space<vmem>>
          %dma_start3A_222 = tpu.memref_squeeze %dma_start3A_221 : memref<1x16x8x128xf32, #tpu.memory_space<vmem>> -> memref<16x8x128xf32, #tpu.memory_space<vmem>>
          tpu.enqueue_dma source(%dma_start3A_222 : memref<16x8x128xf32, #tpu.memory_space<vmem>>) target(%dma_start3A_217 : memref<16x8x128xf32, #tpu.memory_space<hbm>>) target_semaphore(%arg14 : memref<!tpu.dma_semaphore, #tpu.memory_space<semaphore_mem>>)
          %dma_start3A_223 = arith.constant 0 : i32
          %dma_start3A_224 = arith.constant 0 : i32
          %dma_start3A_225 = arith.constant 0 : i32
          %dma_start3A_226 = arith.constant 0 : i32
          %dma_start3A_227 = tpu.memref_slice %arg11[%dma_start3A_223, %dma_start3A_224, %dma_start3A_225, %dma_start3A_226] : memref<2x16x8x128xf32, #tpu.memory_space<vmem>> -> memref<1x16x8x128xf32, #tpu.memory_space<vmem>>
          %dma_start3A_228 = tpu.memref_squeeze %dma_start3A_227 : memref<1x16x8x128xf32, #tpu.memory_space<vmem>> -> memref<16x8x128xf32, #tpu.memory_space<vmem>>
          %dma_start3A_229 = arith.constant 0 : i32
          %dma_start3A_230 = arith.constant 0 : i32
          %dma_start3A_231 = tpu.memref_slice %arg7[%add3A_196, %dma_start3A_229, %dma_start3A_230] : memref<32768x8x128xf32, #tpu.memory_space<hbm>> -> memref<16x8x128xf32, #tpu.memory_space<hbm>>
          %dma_start3A_232 = arith.constant 0 : i32
          %dma_start3A_233 = arith.constant 0 : i32
          %dma_start3A_234 = tpu.memref_slice %arg7[%add3A_196, %dma_start3A_232, %dma_start3A_233] : memref<32768x8x128xf32, #tpu.memory_space<hbm>> -> memref<16x8x128xf32, #tpu.memory_space<hbm>>
          %dma_start3A_235 = arith.constant 0 : i32
          %dma_start3A_236 = arith.constant 0 : i32
          %dma_start3A_237 = arith.constant 0 : i32
          %dma_start3A_238 = tpu.memref_slice %arg11[%dma_start3A_223, %dma_start3A_235, %dma_start3A_236, %dma_start3A_237] : memref<2x16x8x128xf32, #tpu.memory_space<vmem>> -> memref<1x16x8x128xf32, #tpu.memory_space<vmem>>
          %dma_start3A_239 = tpu.memref_squeeze %dma_start3A_238 : memref<1x16x8x128xf32, #tpu.memory_space<vmem>> -> memref<16x8x128xf32, #tpu.memory_space<vmem>>
          tpu.enqueue_dma source(%dma_start3A_239 : memref<16x8x128xf32, #tpu.memory_space<vmem>>) target(%dma_start3A_234 : memref<16x8x128xf32, #tpu.memory_space<hbm>>) target_semaphore(%arg14 : memref<!tpu.dma_semaphore, #tpu.memory_space<semaphore_mem>>)
        } else {
        }
        %eq3A_202 = arith.constant 1 : i32
        %eq3A_203 = arith.cmpi eq, %select_n3A_162, %eq3A_202 : i32
        %convert_element_type3A_204 = arith.extui %eq3A_203 : i1 to i32
        %cond3A_205 = arith.constant 0 : i32
        %cond3A_206 = arith.cmpi ne, %convert_element_type3A_204, %cond3A_205 : i32
        scf.if %cond3A_206 {
          %dma_start3A = arith.constant 1 : i32
          %dma_start3A_207 = arith.constant 0 : i32
          %dma_start3A_208 = arith.constant 0 : i32
          %dma_start3A_209 = arith.constant 0 : i32
          %dma_start3A_210 = tpu.memref_slice %arg10[%dma_start3A, %dma_start3A_207, %dma_start3A_208, %dma_start3A_209] : memref<2x16x8x128xf32, #tpu.memory_space<vmem>> -> memref<1x16x8x128xf32, #tpu.memory_space<vmem>>
          %dma_start3A_211 = tpu.memref_squeeze %dma_start3A_210 : memref<1x16x8x128xf32, #tpu.memory_space<vmem>> -> memref<16x8x128xf32, #tpu.memory_space<vmem>>
          %dma_start3A_212 = arith.constant 0 : i32
          %dma_start3A_213 = arith.constant 0 : i32
          %dma_start3A_214 = tpu.memref_slice %arg6[%add3A_195, %dma_start3A_212, %dma_start3A_213] : memref<32768x8x128xf32, #tpu.memory_space<hbm>> -> memref<16x8x128xf32, #tpu.memory_space<hbm>>
          %dma_start3A_215 = arith.constant 0 : i32
          %dma_start3A_216 = arith.constant 0 : i32
          %dma_start3A_217 = tpu.memref_slice %arg6[%add3A_195, %dma_start3A_215, %dma_start3A_216] : memref<32768x8x128xf32, #tpu.memory_space<hbm>> -> memref<16x8x128xf32, #tpu.memory_space<hbm>>
          %dma_start3A_218 = arith.constant 0 : i32
          %dma_start3A_219 = arith.constant 0 : i32
          %dma_start3A_220 = arith.constant 0 : i32
          %dma_start3A_221 = tpu.memref_slice %arg10[%dma_start3A, %dma_start3A_218, %dma_start3A_219, %dma_start3A_220] : memref<2x16x8x128xf32, #tpu.memory_space<vmem>> -> memref<1x16x8x128xf32, #tpu.memory_space<vmem>>
          %dma_start3A_222 = tpu.memref_squeeze %dma_start3A_221 : memref<1x16x8x128xf32, #tpu.memory_space<vmem>> -> memref<16x8x128xf32, #tpu.memory_space<vmem>>
          tpu.enqueue_dma source(%dma_start3A_222 : memref<16x8x128xf32, #tpu.memory_space<vmem>>) target(%dma_start3A_217 : memref<16x8x128xf32, #tpu.memory_space<hbm>>) target_semaphore(%arg15 : memref<!tpu.dma_semaphore, #tpu.memory_space<semaphore_mem>>)
          %dma_start3A_223 = arith.constant 1 : i32
          %dma_start3A_224 = arith.constant 0 : i32
          %dma_start3A_225 = arith.constant 0 : i32
          %dma_start3A_226 = arith.constant 0 : i32
          %dma_start3A_227 = tpu.memref_slice %arg11[%dma_start3A_223, %dma_start3A_224, %dma_start3A_225, %dma_start3A_226] : memref<2x16x8x128xf32, #tpu.memory_space<vmem>> -> memref<1x16x8x128xf32, #tpu.memory_space<vmem>>
          %dma_start3A_228 = tpu.memref_squeeze %dma_start3A_227 : memref<1x16x8x128xf32, #tpu.memory_space<vmem>> -> memref<16x8x128xf32, #tpu.memory_space<vmem>>
          %dma_start3A_229 = arith.constant 0 : i32
          %dma_start3A_230 = arith.constant 0 : i32
          %dma_start3A_231 = tpu.memref_slice %arg7[%add3A_196, %dma_start3A_229, %dma_start3A_230] : memref<32768x8x128xf32, #tpu.memory_space<hbm>> -> memref<16x8x128xf32, #tpu.memory_space<hbm>>
          %dma_start3A_232 = arith.constant 0 : i32
          %dma_start3A_233 = arith.constant 0 : i32
          %dma_start3A_234 = tpu.memref_slice %arg7[%add3A_196, %dma_start3A_232, %dma_start3A_233] : memref<32768x8x128xf32, #tpu.memory_space<hbm>> -> memref<16x8x128xf32, #tpu.memory_space<hbm>>
          %dma_start3A_235 = arith.constant 0 : i32
          %dma_start3A_236 = arith.constant 0 : i32
          %dma_start3A_237 = arith.constant 0 : i32
          %dma_start3A_238 = tpu.memref_slice %arg11[%dma_start3A_223, %dma_start3A_235, %dma_start3A_236, %dma_start3A_237] : memref<2x16x8x128xf32, #tpu.memory_space<vmem>> -> memref<1x16x8x128xf32, #tpu.memory_space<vmem>>
          %dma_start3A_239 = tpu.memref_squeeze %dma_start3A_238 : memref<1x16x8x128xf32, #tpu.memory_space<vmem>> -> memref<16x8x128xf32, #tpu.memory_space<vmem>>
          tpu.enqueue_dma source(%dma_start3A_239 : memref<16x8x128xf32, #tpu.memory_space<vmem>>) target(%dma_start3A_234 : memref<16x8x128xf32, #tpu.memory_space<hbm>>) target_semaphore(%arg15 : memref<!tpu.dma_semaphore, #tpu.memory_space<semaphore_mem>>)
        } else {
        }
      } else {
      }
      %scan3A_170 = arith.constant 0 : i32
      scf.yield %scan3A_170 : i32
    }
    %scan3A_105 = arith.constant 64 : i32
    %sub3A_106 = arith.subi %select_n3A_91, %mul3A_88 : i32
    %add3A_107 = arith.constant 16 : i32
    %add3A_108 = arith.addi %sub3A_106, %add3A_107 : i32
    %sub3A_109 = arith.constant 1 : i32
    %sub3A_110 = arith.subi %add3A_108, %sub3A_109 : i32
    %jit3A_111 = arith.constant 16 : i32
    %div3A_112 = arith.divsi %sub3A_110, %jit3A_111 : i32
    %sign3A_113 = arith.constant 0 : i32
    %sign3A_114 = arith.cmpi sgt, %sub3A_110, %sign3A_113 : i32
    %sign3A_115 = arith.extui %sign3A_114 : i1 to i32
    %sign3A_116 = arith.constant 0 : i32
    %sign3A_117 = arith.cmpi slt, %sub3A_110, %sign3A_116 : i32
    %sign3A_118 = arith.extui %sign3A_117 : i1 to i32
    %sign3A_119 = arith.subi %sign3A_115, %sign3A_118 : i32
    %sign3A_120 = arith.constant 0 : i32
    %sign3A_121 = arith.cmpi sgt, %jit3A_111, %sign3A_120 : i32
    %sign3A_122 = arith.extui %sign3A_121 : i1 to i32
    %sign3A_123 = arith.constant 0 : i32
    %sign3A_124 = arith.cmpi slt, %jit3A_111, %sign3A_123 : i32
    %sign3A_125 = arith.extui %sign3A_124 : i1 to i32
    %sign3A_126 = arith.subi %sign3A_122, %sign3A_125 : i32
    %ne3A_127 = arith.cmpi ne, %sign3A_119, %sign3A_126 : i32
    %rem3A_128 = arith.remsi %sub3A_110, %jit3A_111 : i32
    %ne3A_129 = arith.constant 0 : i32
    %ne3A_130 = arith.cmpi ne, %rem3A_128, %ne3A_129 : i32
    %and3A_131 = arith.andi %ne3A_127, %ne3A_130 : i1
    %sub3A_132 = arith.constant 1 : i32
    %sub3A_133 = arith.subi %div3A_112, %sub3A_132 : i32
    %select_n3A_134 = arith.select %and3A_131, %sub3A_133, %div3A_112 : i32
    %max3A = arith.constant 0 : i32
    %max3A_135 = arith.maxsi %select_n3A_134, %max3A : i32
    %ge3A = arith.constant 2 : i32
    %ge3A_136 = arith.cmpi sge, %max3A_135, %ge3A : i32
    %convert_element_type3A_137 = arith.extui %ge3A_136 : i1 to i32
    %cond3A_138 = arith.constant 0 : i32
    %cond3A_139 = arith.cmpi ne, %convert_element_type3A_137, %cond3A_138 : i32
    scf.if %cond3A_139 {
      %sub3A_145 = arith.constant 2 : i32
      %sub3A_146 = arith.subi %max3A_135, %sub3A_145 : i32
      %jit3A_147 = arith.constant 2 : i32
      %eq3A_148 = arith.constant 0 : i32
      %eq3A_149 = arith.cmpi eq, %jit3A_147, %eq3A_148 : i32
      %jit3A_150 = arith.constant 1 : i32
      %select_n3A_151 = arith.select %eq3A_149, %jit3A_150, %jit3A_147 : i32
      %rem3A_152 = arith.remsi %sub3A_146, %select_n3A_151 : i32
      %ne3A_153 = arith.constant 0 : i32
      %ne3A_154 = arith.cmpi ne, %rem3A_152, %ne3A_153 : i32
      %lt3A_155 = arith.constant 0 : i32
      %lt3A_156 = arith.cmpi slt, %rem3A_152, %lt3A_155 : i32
      %lt3A_157 = arith.constant 0 : i32
      %lt3A_158 = arith.cmpi slt, %select_n3A_151, %lt3A_157 : i32
      %ne3A_159 = arith.xori %lt3A_156, %lt3A_158 : i1
      %and3A_160 = arith.andi %ne3A_159, %ne3A_154 : i1
      %add3A_161 = arith.addi %rem3A_152, %select_n3A_151 : i32
      %select_n3A_162 = arith.select %and3A_160, %add3A_161, %rem3A_152 : i32
      %eq3A_163 = arith.constant 0 : i32
      %eq3A_164 = arith.cmpi eq, %select_n3A_162, %eq3A_163 : i32
      %convert_element_type3A_165 = arith.extui %eq3A_164 : i1 to i32
      %cond3A_166 = arith.constant 0 : i32
      %cond3A_167 = arith.cmpi ne, %convert_element_type3A_165, %cond3A_166 : i32
      scf.if %cond3A_167 {
        %dma_wait3A = arith.constant 0 : i32
        %dma_wait3A_173 = arith.constant 0 : i32
        %dma_wait3A_174 = arith.constant 0 : i32
        %dma_wait3A_175 = arith.constant 0 : i32
        %dma_wait3A_176 = tpu.memref_slice %arg10[%dma_wait3A, %dma_wait3A_173, %dma_wait3A_174, %dma_wait3A_175] : memref<2x16x8x128xf32, #tpu.memory_space<vmem>> -> memref<1x16x8x128xf32, #tpu.memory_space<vmem>>
        %dma_wait3A_177 = tpu.memref_squeeze %dma_wait3A_176 : memref<1x16x8x128xf32, #tpu.memory_space<vmem>> -> memref<16x8x128xf32, #tpu.memory_space<vmem>>
        %dma_wait3A_178 = arith.constant 0 : i32
        %dma_wait3A_179 = arith.constant 0 : i32
        %dma_wait3A_180 = tpu.memref_slice %arg6[%mul3A_95, %dma_wait3A_178, %dma_wait3A_179] : memref<32768x8x128xf32, #tpu.memory_space<hbm>> -> memref<16x8x128xf32, #tpu.memory_space<hbm>>
        %dma_wait3A_181 = arith.constant 0 : i32
        %dma_wait3A_182 = arith.constant 0 : i32
        %dma_wait3A_183 = tpu.memref_slice %arg6[%mul3A_95, %dma_wait3A_181, %dma_wait3A_182] : memref<32768x8x128xf32, #tpu.memory_space<hbm>> -> memref<16x8x128xf32, #tpu.memory_space<hbm>>
        %dma_wait3A_184 = arith.constant 0 : i32
        %dma_wait3A_185 = arith.constant 0 : i32
        %dma_wait3A_186 = arith.constant 0 : i32
        %dma_wait3A_187 = tpu.memref_slice %arg10[%dma_wait3A, %dma_wait3A_184, %dma_wait3A_185, %dma_wait3A_186] : memref<2x16x8x128xf32, #tpu.memory_space<vmem>> -> memref<1x16x8x128xf32, #tpu.memory_space<vmem>>
        %dma_wait3A_188 = tpu.memref_squeeze %dma_wait3A_187 : memref<1x16x8x128xf32, #tpu.memory_space<vmem>> -> memref<16x8x128xf32, #tpu.memory_space<vmem>>
        tpu.wait_dma2 semaphore(%arg14 : memref<!tpu.dma_semaphore, #tpu.memory_space<semaphore_mem>>) src(%dma_wait3A_188 : memref<16x8x128xf32, #tpu.memory_space<vmem>>) dst(%dma_wait3A_183 : memref<16x8x128xf32, #tpu.memory_space<hbm>>)
        %dma_wait3A_189 = arith.constant 0 : i32
        %dma_wait3A_190 = arith.constant 0 : i32
        %dma_wait3A_191 = arith.constant 0 : i32
        %dma_wait3A_192 = arith.constant 0 : i32
        %dma_wait3A_193 = tpu.memref_slice %arg11[%dma_wait3A_189, %dma_wait3A_190, %dma_wait3A_191, %dma_wait3A_192] : memref<2x16x8x128xf32, #tpu.memory_space<vmem>> -> memref<1x16x8x128xf32, #tpu.memory_space<vmem>>
        %dma_wait3A_194 = tpu.memref_squeeze %dma_wait3A_193 : memref<1x16x8x128xf32, #tpu.memory_space<vmem>> -> memref<16x8x128xf32, #tpu.memory_space<vmem>>
        %dma_wait3A_195 = arith.constant 0 : i32
        %dma_wait3A_196 = arith.constant 0 : i32
        %dma_wait3A_197 = tpu.memref_slice %arg7[%mul3A_95, %dma_wait3A_195, %dma_wait3A_196] : memref<32768x8x128xf32, #tpu.memory_space<hbm>> -> memref<16x8x128xf32, #tpu.memory_space<hbm>>
        %dma_wait3A_198 = arith.constant 0 : i32
        %dma_wait3A_199 = arith.constant 0 : i32
        %dma_wait3A_200 = tpu.memref_slice %arg7[%mul3A_95, %dma_wait3A_198, %dma_wait3A_199] : memref<32768x8x128xf32, #tpu.memory_space<hbm>> -> memref<16x8x128xf32, #tpu.memory_space<hbm>>
        %dma_wait3A_201 = arith.constant 0 : i32
        %dma_wait3A_202 = arith.constant 0 : i32
        %dma_wait3A_203 = arith.constant 0 : i32
        %dma_wait3A_204 = tpu.memref_slice %arg11[%dma_wait3A_189, %dma_wait3A_201, %dma_wait3A_202, %dma_wait3A_203] : memref<2x16x8x128xf32, #tpu.memory_space<vmem>> -> memref<1x16x8x128xf32, #tpu.memory_space<vmem>>
        %dma_wait3A_205 = tpu.memref_squeeze %dma_wait3A_204 : memref<1x16x8x128xf32, #tpu.memory_space<vmem>> -> memref<16x8x128xf32, #tpu.memory_space<vmem>>
        tpu.wait_dma2 semaphore(%arg14 : memref<!tpu.dma_semaphore, #tpu.memory_space<semaphore_mem>>) src(%dma_wait3A_205 : memref<16x8x128xf32, #tpu.memory_space<vmem>>) dst(%dma_wait3A_200 : memref<16x8x128xf32, #tpu.memory_space<hbm>>)
      } else {
      }
      %eq3A_168 = arith.constant 1 : i32
      %eq3A_169 = arith.cmpi eq, %select_n3A_162, %eq3A_168 : i32
      %convert_element_type3A_170 = arith.extui %eq3A_169 : i1 to i32
      %cond3A_171 = arith.constant 0 : i32
      %cond3A_172 = arith.cmpi ne, %convert_element_type3A_170, %cond3A_171 : i32
      scf.if %cond3A_172 {
        %dma_wait3A = arith.constant 1 : i32
        %dma_wait3A_173 = arith.constant 0 : i32
        %dma_wait3A_174 = arith.constant 0 : i32
        %dma_wait3A_175 = arith.constant 0 : i32
        %dma_wait3A_176 = tpu.memref_slice %arg10[%dma_wait3A, %dma_wait3A_173, %dma_wait3A_174, %dma_wait3A_175] : memref<2x16x8x128xf32, #tpu.memory_space<vmem>> -> memref<1x16x8x128xf32, #tpu.memory_space<vmem>>
        %dma_wait3A_177 = tpu.memref_squeeze %dma_wait3A_176 : memref<1x16x8x128xf32, #tpu.memory_space<vmem>> -> memref<16x8x128xf32, #tpu.memory_space<vmem>>
        %dma_wait3A_178 = arith.constant 0 : i32
        %dma_wait3A_179 = arith.constant 0 : i32
        %dma_wait3A_180 = tpu.memref_slice %arg6[%mul3A_95, %dma_wait3A_178, %dma_wait3A_179] : memref<32768x8x128xf32, #tpu.memory_space<hbm>> -> memref<16x8x128xf32, #tpu.memory_space<hbm>>
        %dma_wait3A_181 = arith.constant 0 : i32
        %dma_wait3A_182 = arith.constant 0 : i32
        %dma_wait3A_183 = tpu.memref_slice %arg6[%mul3A_95, %dma_wait3A_181, %dma_wait3A_182] : memref<32768x8x128xf32, #tpu.memory_space<hbm>> -> memref<16x8x128xf32, #tpu.memory_space<hbm>>
        %dma_wait3A_184 = arith.constant 0 : i32
        %dma_wait3A_185 = arith.constant 0 : i32
        %dma_wait3A_186 = arith.constant 0 : i32
        %dma_wait3A_187 = tpu.memref_slice %arg10[%dma_wait3A, %dma_wait3A_184, %dma_wait3A_185, %dma_wait3A_186] : memref<2x16x8x128xf32, #tpu.memory_space<vmem>> -> memref<1x16x8x128xf32, #tpu.memory_space<vmem>>
        %dma_wait3A_188 = tpu.memref_squeeze %dma_wait3A_187 : memref<1x16x8x128xf32, #tpu.memory_space<vmem>> -> memref<16x8x128xf32, #tpu.memory_space<vmem>>
        tpu.wait_dma2 semaphore(%arg15 : memref<!tpu.dma_semaphore, #tpu.memory_space<semaphore_mem>>) src(%dma_wait3A_188 : memref<16x8x128xf32, #tpu.memory_space<vmem>>) dst(%dma_wait3A_183 : memref<16x8x128xf32, #tpu.memory_space<hbm>>)
        %dma_wait3A_189 = arith.constant 1 : i32
        %dma_wait3A_190 = arith.constant 0 : i32
        %dma_wait3A_191 = arith.constant 0 : i32
        %dma_wait3A_192 = arith.constant 0 : i32
        %dma_wait3A_193 = tpu.memref_slice %arg11[%dma_wait3A_189, %dma_wait3A_190, %dma_wait3A_191, %dma_wait3A_192] : memref<2x16x8x128xf32, #tpu.memory_space<vmem>> -> memref<1x16x8x128xf32, #tpu.memory_space<vmem>>
        %dma_wait3A_194 = tpu.memref_squeeze %dma_wait3A_193 : memref<1x16x8x128xf32, #tpu.memory_space<vmem>> -> memref<16x8x128xf32, #tpu.memory_space<vmem>>
        %dma_wait3A_195 = arith.constant 0 : i32
        %dma_wait3A_196 = arith.constant 0 : i32
        %dma_wait3A_197 = tpu.memref_slice %arg7[%mul3A_95, %dma_wait3A_195, %dma_wait3A_196] : memref<32768x8x128xf32, #tpu.memory_space<hbm>> -> memref<16x8x128xf32, #tpu.memory_space<hbm>>
        %dma_wait3A_198 = arith.constant 0 : i32
        %dma_wait3A_199 = arith.constant 0 : i32
        %dma_wait3A_200 = tpu.memref_slice %arg7[%mul3A_95, %dma_wait3A_198, %dma_wait3A_199] : memref<32768x8x128xf32, #tpu.memory_space<hbm>> -> memref<16x8x128xf32, #tpu.memory_space<hbm>>
        %dma_wait3A_201 = arith.constant 0 : i32
        %dma_wait3A_202 = arith.constant 0 : i32
        %dma_wait3A_203 = arith.constant 0 : i32
        %dma_wait3A_204 = tpu.memref_slice %arg11[%dma_wait3A_189, %dma_wait3A_201, %dma_wait3A_202, %dma_wait3A_203] : memref<2x16x8x128xf32, #tpu.memory_space<vmem>> -> memref<1x16x8x128xf32, #tpu.memory_space<vmem>>
        %dma_wait3A_205 = tpu.memref_squeeze %dma_wait3A_204 : memref<1x16x8x128xf32, #tpu.memory_space<vmem>> -> memref<16x8x128xf32, #tpu.memory_space<vmem>>
        tpu.wait_dma2 semaphore(%arg15 : memref<!tpu.dma_semaphore, #tpu.memory_space<semaphore_mem>>) src(%dma_wait3A_205 : memref<16x8x128xf32, #tpu.memory_space<vmem>>) dst(%dma_wait3A_200 : memref<16x8x128xf32, #tpu.memory_space<hbm>>)
      } else {
      }
    } else {
    }
    %ge3A_140 = arith.constant 1 : i32
    %ge3A_141 = arith.cmpi sge, %max3A_135, %ge3A_140 : i32
    %convert_element_type3A_142 = arith.extui %ge3A_141 : i1 to i32
    %cond3A_143 = arith.constant 0 : i32
    %cond3A_144 = arith.cmpi ne, %convert_element_type3A_142, %cond3A_143 : i32
    scf.if %cond3A_144 {
      %sub3A_145 = arith.constant 1 : i32
      %sub3A_146 = arith.subi %max3A_135, %sub3A_145 : i32
      %jit3A_147 = arith.constant 2 : i32
      %eq3A_148 = arith.constant 0 : i32
      %eq3A_149 = arith.cmpi eq, %jit3A_147, %eq3A_148 : i32
      %jit3A_150 = arith.constant 1 : i32
      %select_n3A_151 = arith.select %eq3A_149, %jit3A_150, %jit3A_147 : i32
      %rem3A_152 = arith.remsi %sub3A_146, %select_n3A_151 : i32
      %ne3A_153 = arith.constant 0 : i32
      %ne3A_154 = arith.cmpi ne, %rem3A_152, %ne3A_153 : i32
      %lt3A_155 = arith.constant 0 : i32
      %lt3A_156 = arith.cmpi slt, %rem3A_152, %lt3A_155 : i32
      %lt3A_157 = arith.constant 0 : i32
      %lt3A_158 = arith.cmpi slt, %select_n3A_151, %lt3A_157 : i32
      %ne3A_159 = arith.xori %lt3A_156, %lt3A_158 : i1
      %and3A_160 = arith.andi %ne3A_159, %ne3A_154 : i1
      %add3A_161 = arith.addi %rem3A_152, %select_n3A_151 : i32
      %select_n3A_162 = arith.select %and3A_160, %add3A_161, %rem3A_152 : i32
      %eq3A_163 = arith.constant 0 : i32
      %eq3A_164 = arith.cmpi eq, %select_n3A_162, %eq3A_163 : i32
      %convert_element_type3A_165 = arith.extui %eq3A_164 : i1 to i32
      %cond3A_166 = arith.constant 0 : i32
      %cond3A_167 = arith.cmpi ne, %convert_element_type3A_165, %cond3A_166 : i32
      scf.if %cond3A_167 {
        %dma_wait3A = arith.constant 0 : i32
        %dma_wait3A_173 = arith.constant 0 : i32
        %dma_wait3A_174 = arith.constant 0 : i32
        %dma_wait3A_175 = arith.constant 0 : i32
        %dma_wait3A_176 = tpu.memref_slice %arg10[%dma_wait3A, %dma_wait3A_173, %dma_wait3A_174, %dma_wait3A_175] : memref<2x16x8x128xf32, #tpu.memory_space<vmem>> -> memref<1x16x8x128xf32, #tpu.memory_space<vmem>>
        %dma_wait3A_177 = tpu.memref_squeeze %dma_wait3A_176 : memref<1x16x8x128xf32, #tpu.memory_space<vmem>> -> memref<16x8x128xf32, #tpu.memory_space<vmem>>
        %dma_wait3A_178 = arith.constant 0 : i32
        %dma_wait3A_179 = arith.constant 0 : i32
        %dma_wait3A_180 = tpu.memref_slice %arg6[%mul3A_95, %dma_wait3A_178, %dma_wait3A_179] : memref<32768x8x128xf32, #tpu.memory_space<hbm>> -> memref<16x8x128xf32, #tpu.memory_space<hbm>>
        %dma_wait3A_181 = arith.constant 0 : i32
        %dma_wait3A_182 = arith.constant 0 : i32
        %dma_wait3A_183 = tpu.memref_slice %arg6[%mul3A_95, %dma_wait3A_181, %dma_wait3A_182] : memref<32768x8x128xf32, #tpu.memory_space<hbm>> -> memref<16x8x128xf32, #tpu.memory_space<hbm>>
        %dma_wait3A_184 = arith.constant 0 : i32
        %dma_wait3A_185 = arith.constant 0 : i32
        %dma_wait3A_186 = arith.constant 0 : i32
        %dma_wait3A_187 = tpu.memref_slice %arg10[%dma_wait3A, %dma_wait3A_184, %dma_wait3A_185, %dma_wait3A_186] : memref<2x16x8x128xf32, #tpu.memory_space<vmem>> -> memref<1x16x8x128xf32, #tpu.memory_space<vmem>>
        %dma_wait3A_188 = tpu.memref_squeeze %dma_wait3A_187 : memref<1x16x8x128xf32, #tpu.memory_space<vmem>> -> memref<16x8x128xf32, #tpu.memory_space<vmem>>
        tpu.wait_dma2 semaphore(%arg14 : memref<!tpu.dma_semaphore, #tpu.memory_space<semaphore_mem>>) src(%dma_wait3A_188 : memref<16x8x128xf32, #tpu.memory_space<vmem>>) dst(%dma_wait3A_183 : memref<16x8x128xf32, #tpu.memory_space<hbm>>)
        %dma_wait3A_189 = arith.constant 0 : i32
        %dma_wait3A_190 = arith.constant 0 : i32
        %dma_wait3A_191 = arith.constant 0 : i32
        %dma_wait3A_192 = arith.constant 0 : i32
        %dma_wait3A_193 = tpu.memref_slice %arg11[%dma_wait3A_189, %dma_wait3A_190, %dma_wait3A_191, %dma_wait3A_192] : memref<2x16x8x128xf32, #tpu.memory_space<vmem>> -> memref<1x16x8x128xf32, #tpu.memory_space<vmem>>
        %dma_wait3A_194 = tpu.memref_squeeze %dma_wait3A_193 : memref<1x16x8x128xf32, #tpu.memory_space<vmem>> -> memref<16x8x128xf32, #tpu.memory_space<vmem>>
        %dma_wait3A_195 = arith.constant 0 : i32
        %dma_wait3A_196 = arith.constant 0 : i32
        %dma_wait3A_197 = tpu.memref_slice %arg7[%mul3A_95, %dma_wait3A_195, %dma_wait3A_196] : memref<32768x8x128xf32, #tpu.memory_space<hbm>> -> memref<16x8x128xf32, #tpu.memory_space<hbm>>
        %dma_wait3A_198 = arith.constant 0 : i32
        %dma_wait3A_199 = arith.constant 0 : i32
        %dma_wait3A_200 = tpu.memref_slice %arg7[%mul3A_95, %dma_wait3A_198, %dma_wait3A_199] : memref<32768x8x128xf32, #tpu.memory_space<hbm>> -> memref<16x8x128xf32, #tpu.memory_space<hbm>>
        %dma_wait3A_201 = arith.constant 0 : i32
        %dma_wait3A_202 = arith.constant 0 : i32
        %dma_wait3A_203 = arith.constant 0 : i32
        %dma_wait3A_204 = tpu.memref_slice %arg11[%dma_wait3A_189, %dma_wait3A_201, %dma_wait3A_202, %dma_wait3A_203] : memref<2x16x8x128xf32, #tpu.memory_space<vmem>> -> memref<1x16x8x128xf32, #tpu.memory_space<vmem>>
        %dma_wait3A_205 = tpu.memref_squeeze %dma_wait3A_204 : memref<1x16x8x128xf32, #tpu.memory_space<vmem>> -> memref<16x8x128xf32, #tpu.memory_space<vmem>>
        tpu.wait_dma2 semaphore(%arg14 : memref<!tpu.dma_semaphore, #tpu.memory_space<semaphore_mem>>) src(%dma_wait3A_205 : memref<16x8x128xf32, #tpu.memory_space<vmem>>) dst(%dma_wait3A_200 : memref<16x8x128xf32, #tpu.memory_space<hbm>>)
      } else {
      }
      %eq3A_168 = arith.constant 1 : i32
      %eq3A_169 = arith.cmpi eq, %select_n3A_162, %eq3A_168 : i32
      %convert_element_type3A_170 = arith.extui %eq3A_169 : i1 to i32
      %cond3A_171 = arith.constant 0 : i32
      %cond3A_172 = arith.cmpi ne, %convert_element_type3A_170, %cond3A_171 : i32
      scf.if %cond3A_172 {
        %dma_wait3A = arith.constant 1 : i32
        %dma_wait3A_173 = arith.constant 0 : i32
        %dma_wait3A_174 = arith.constant 0 : i32
        %dma_wait3A_175 = arith.constant 0 : i32
        %dma_wait3A_176 = tpu.memref_slice %arg10[%dma_wait3A, %dma_wait3A_173, %dma_wait3A_174, %dma_wait3A_175] : memref<2x16x8x128xf32, #tpu.memory_space<vmem>> -> memref<1x16x8x128xf32, #tpu.memory_space<vmem>>
        %dma_wait3A_177 = tpu.memref_squeeze %dma_wait3A_176 : memref<1x16x8x128xf32, #tpu.memory_space<vmem>> -> memref<16x8x128xf32, #tpu.memory_space<vmem>>
        %dma_wait3A_178 = arith.constant 0 : i32
        %dma_wait3A_179 = arith.constant 0 : i32
        %dma_wait3A_180 = tpu.memref_slice %arg6[%mul3A_95, %dma_wait3A_178, %dma_wait3A_179] : memref<32768x8x128xf32, #tpu.memory_space<hbm>> -> memref<16x8x128xf32, #tpu.memory_space<hbm>>
        %dma_wait3A_181 = arith.constant 0 : i32
        %dma_wait3A_182 = arith.constant 0 : i32
        %dma_wait3A_183 = tpu.memref_slice %arg6[%mul3A_95, %dma_wait3A_181, %dma_wait3A_182] : memref<32768x8x128xf32, #tpu.memory_space<hbm>> -> memref<16x8x128xf32, #tpu.memory_space<hbm>>
        %dma_wait3A_184 = arith.constant 0 : i32
        %dma_wait3A_185 = arith.constant 0 : i32
        %dma_wait3A_186 = arith.constant 0 : i32
        %dma_wait3A_187 = tpu.memref_slice %arg10[%dma_wait3A, %dma_wait3A_184, %dma_wait3A_185, %dma_wait3A_186] : memref<2x16x8x128xf32, #tpu.memory_space<vmem>> -> memref<1x16x8x128xf32, #tpu.memory_space<vmem>>
        %dma_wait3A_188 = tpu.memref_squeeze %dma_wait3A_187 : memref<1x16x8x128xf32, #tpu.memory_space<vmem>> -> memref<16x8x128xf32, #tpu.memory_space<vmem>>
        tpu.wait_dma2 semaphore(%arg15 : memref<!tpu.dma_semaphore, #tpu.memory_space<semaphore_mem>>) src(%dma_wait3A_188 : memref<16x8x128xf32, #tpu.memory_space<vmem>>) dst(%dma_wait3A_183 : memref<16x8x128xf32, #tpu.memory_space<hbm>>)
        %dma_wait3A_189 = arith.constant 1 : i32
        %dma_wait3A_190 = arith.constant 0 : i32
        %dma_wait3A_191 = arith.constant 0 : i32
        %dma_wait3A_192 = arith.constant 0 : i32
        %dma_wait3A_193 = tpu.memref_slice %arg11[%dma_wait3A_189, %dma_wait3A_190, %dma_wait3A_191, %dma_wait3A_192] : memref<2x16x8x128xf32, #tpu.memory_space<vmem>> -> memref<1x16x8x128xf32, #tpu.memory_space<vmem>>
        %dma_wait3A_194 = tpu.memref_squeeze %dma_wait3A_193 : memref<1x16x8x128xf32, #tpu.memory_space<vmem>> -> memref<16x8x128xf32, #tpu.memory_space<vmem>>
        %dma_wait3A_195 = arith.constant 0 : i32
        %dma_wait3A_196 = arith.constant 0 : i32
        %dma_wait3A_197 = tpu.memref_slice %arg7[%mul3A_95, %dma_wait3A_195, %dma_wait3A_196] : memref<32768x8x128xf32, #tpu.memory_space<hbm>> -> memref<16x8x128xf32, #tpu.memory_space<hbm>>
        %dma_wait3A_198 = arith.constant 0 : i32
        %dma_wait3A_199 = arith.constant 0 : i32
        %dma_wait3A_200 = tpu.memref_slice %arg7[%mul3A_95, %dma_wait3A_198, %dma_wait3A_199] : memref<32768x8x128xf32, #tpu.memory_space<hbm>> -> memref<16x8x128xf32, #tpu.memory_space<hbm>>
        %dma_wait3A_201 = arith.constant 0 : i32
        %dma_wait3A_202 = arith.constant 0 : i32
        %dma_wait3A_203 = arith.constant 0 : i32
        %dma_wait3A_204 = tpu.memref_slice %arg11[%dma_wait3A_189, %dma_wait3A_201, %dma_wait3A_202, %dma_wait3A_203] : memref<2x16x8x128xf32, #tpu.memory_space<vmem>> -> memref<1x16x8x128xf32, #tpu.memory_space<vmem>>
        %dma_wait3A_205 = tpu.memref_squeeze %dma_wait3A_204 : memref<1x16x8x128xf32, #tpu.memory_space<vmem>> -> memref<16x8x128xf32, #tpu.memory_space<vmem>>
        tpu.wait_dma2 semaphore(%arg15 : memref<!tpu.dma_semaphore, #tpu.memory_space<semaphore_mem>>) src(%dma_wait3A_205 : memref<16x8x128xf32, #tpu.memory_space<vmem>>) dst(%dma_wait3A_200 : memref<16x8x128xf32, #tpu.memory_space<hbm>>)
      } else {
      }
    } else {
    }
    return
  }
}

module attributes {stable_mosaic.version = 14 : i64} {
  func.func @_attn_body(%arg0: i32, %arg1: i32, %arg2: memref<16xi32, #tpu.memory_space<smem>>, %arg3: memref<1x32x1024xf32, #tpu.memory_space<vmem>>, %arg4: memref<1x1x1x512xi32, #tpu.memory_space<vmem>>, %arg5: memref<16x1xi32, #tpu.memory_space<vmem>>, %arg6: memref<16x1024xf32, #tpu.memory_space<vmem>>, %arg7: memref<16x1024xf32, #tpu.memory_space<vmem>>, %arg8: memref<1x1x512x8x128xf32, #tpu.memory_space<vmem>>, %arg9: memref<1x1x512x8x128xf32, #tpu.memory_space<vmem>>, %arg10: memref<1x32x128xf32, #tpu.memory_space<vmem>>, %arg11: memref<32x128xf32, #tpu.memory_space<vmem>>, %arg12: memref<32x128xf32, #tpu.memory_space<vmem>>, %arg13: memref<32x1024xf32, #tpu.memory_space<vmem>>, %arg14: memref<32x16xf32, #tpu.memory_space<vmem>>) attributes {dimension_semantics = [#tpu.dimension_semantics<parallel>, #tpu.dimension_semantics<arbitrary>], iteration_bounds = array<i64: 16, 4>, scalar_prefetch = 1 : i64, scratch_operands = 4 : i64, tpu.core_type = #tpu.core_type<tc>, window_params = [{transform_indices = @transform_0, window_bounds = array<i64: 1, 32, 1024>}, {transform_indices = @transform_1, window_bounds = array<i64: 1, 1, 1, 512>}, {pipeline_mode = #tpu.pipeline_mode<synchronous>, transform_indices = @transform_2, window_bounds = array<i64: 16, 1>}, {pipeline_mode = #tpu.pipeline_mode<synchronous>, transform_indices = @transform_3, window_bounds = array<i64: 16, 1024>}, {pipeline_mode = #tpu.pipeline_mode<synchronous>, transform_indices = @transform_4, window_bounds = array<i64: 16, 1024>}, {transform_indices = @transform_5, window_bounds = array<i64: 1, 1, 512, 8, 128>}, {transform_indices = @transform_6, window_bounds = array<i64: 1, 1, 512, 8, 128>}, {transform_indices = @transform_7, window_bounds = array<i64: 1, 32, 128>}]} {
    %get3A = arith.index_cast %arg0 : i32 to index
    %get3A_0 = memref.load %arg2[%get3A] : memref<16xi32, #tpu.memory_space<smem>>
    %add3A = arith.constant 512 : i32
    %add3A_1 = arith.addi %get3A_0, %add3A : i32
    %sub3A = arith.constant 1 : i32
    %sub3A_2 = arith.subi %add3A_1, %sub3A : i32
    %jit3A = arith.constant 512 : i32
    %div3A = arith.divsi %sub3A_2, %jit3A : i32
    %sign3A = arith.constant 0 : i32
    %sign3A_3 = arith.cmpi sgt, %sub3A_2, %sign3A : i32
    %sign3A_4 = arith.extui %sign3A_3 : i1 to i32
    %sign3A_5 = arith.constant 0 : i32
    %sign3A_6 = arith.cmpi slt, %sub3A_2, %sign3A_5 : i32
    %sign3A_7 = arith.extui %sign3A_6 : i1 to i32
    %sign3A_8 = arith.subi %sign3A_4, %sign3A_7 : i32
    %sign3A_9 = arith.constant 0 : i32
    %sign3A_10 = arith.cmpi sgt, %jit3A, %sign3A_9 : i32
    %sign3A_11 = arith.extui %sign3A_10 : i1 to i32
    %sign3A_12 = arith.constant 0 : i32
    %sign3A_13 = arith.cmpi slt, %jit3A, %sign3A_12 : i32
    %sign3A_14 = arith.extui %sign3A_13 : i1 to i32
    %sign3A_15 = arith.subi %sign3A_11, %sign3A_14 : i32
    %ne3A = arith.cmpi ne, %sign3A_8, %sign3A_15 : i32
    %rem3A = arith.remsi %sub3A_2, %jit3A : i32
    %ne3A_16 = arith.constant 0 : i32
    %ne3A_17 = arith.cmpi ne, %rem3A, %ne3A_16 : i32
    %and3A = arith.andi %ne3A, %ne3A_17 : i1
    %sub3A_18 = arith.constant 1 : i32
    %sub3A_19 = arith.subi %div3A, %sub3A_18 : i32
    %select_n3A = arith.select %and3A, %sub3A_19, %div3A : i32
    %sub3A_20 = arith.constant 1 : i32
    %sub3A_21 = arith.subi %select_n3A, %sub3A_20 : i32
    %eq3A = arith.constant 0 : i32
    %eq3A_22 = arith.cmpi eq, %arg1, %eq3A : i32
    %convert_element_type3A = arith.extui %eq3A_22 : i1 to i32
    %cond3A = arith.constant 0 : i32
    %cond3A_23 = arith.cmpi ne, %convert_element_type3A, %cond3A : i32
    scf.if %cond3A_23 {
      %broadcast_in_dim3A = arith.constant -1.000000e+30 : f32
      %broadcast_in_dim3A_32 = vector.broadcast %broadcast_in_dim3A : f32 to vector<32x128xf32>
      %swap3A = arith.constant 0 : index
      %swap3A_33 = arith.constant 0 : index
      %swap3A_34 = vector.load %arg11[%swap3A, %swap3A_33] : memref<32x128xf32, #tpu.memory_space<vmem>>, vector<32x128xf32>
      tpu.vector_store %arg11[%swap3A, %swap3A_33], %broadcast_in_dim3A_32 {strides = array<i32>} : memref<32x128xf32, #tpu.memory_space<vmem>>, vector<32x128xf32>,
      %broadcast_in_dim3A_35 = arith.constant 0.000000e+00 : f32
      %broadcast_in_dim3A_36 = vector.broadcast %broadcast_in_dim3A_35 : f32 to vector<32x128xf32>
      %swap3A_37 = arith.constant 0 : index
      %swap3A_38 = arith.constant 0 : index
      %swap3A_39 = vector.load %arg12[%swap3A_37, %swap3A_38] : memref<32x128xf32, #tpu.memory_space<vmem>>, vector<32x128xf32>
      tpu.vector_store %arg12[%swap3A_37, %swap3A_38], %broadcast_in_dim3A_36 {strides = array<i32>} : memref<32x128xf32, #tpu.memory_space<vmem>>, vector<32x128xf32>,
      %broadcast_in_dim3A_40 = arith.constant 0.000000e+00 : f32
      %broadcast_in_dim3A_41 = vector.broadcast %broadcast_in_dim3A_40 : f32 to vector<32x1024xf32>
      %swap3A_42 = arith.constant 0 : index
      %swap3A_43 = arith.constant 0 : index
      %swap3A_44 = vector.load %arg13[%swap3A_42, %swap3A_43] : memref<32x1024xf32, #tpu.memory_space<vmem>>, vector<32x1024xf32>
      tpu.vector_store %arg13[%swap3A_42, %swap3A_43], %broadcast_in_dim3A_41 {strides = array<i32>} : memref<32x1024xf32, #tpu.memory_space<vmem>>, vector<32x1024xf32>,
      %get3A_45 = arith.constant 0 : index
      %get3A_46 = arith.constant 0 : index
      %get3A_47 = arith.constant 0 : index
      %get3A_48 = vector.load %arg3[%get3A_45, %get3A_46, %get3A_47] : memref<1x32x1024xf32, #tpu.memory_space<vmem>>, vector<1x32x1024xf32>
      %get3A_49 = vector.shape_cast %get3A_48 : vector<1x32x1024xf32> to vector<32x1024xf32>
      %get3A_50 = arith.constant 0 : index
      %get3A_51 = arith.constant 0 : index
      %get3A_52 = vector.load %arg6[%get3A_50, %get3A_51] : memref<16x1024xf32, #tpu.memory_space<vmem>>, vector<16x1024xf32>
      %dot_general3A = arith.constant dense<0.000000e+00> : vector<32x16xf32>
      %dot_general3A_53 = tpu.matmul %get3A_49, %get3A_52, %dot_general3A {dimension_numbers = #tpu.dot_dimension_numbers<[1], [1], [0], [0], [0, 0, 1, 0], [], []>, transpose_lhs_hint = false} : vector<32x1024xf32>, vector<16x1024xf32>, vector<32x16xf32> -> vector<32x16xf32>
      %swap3A_54 = arith.constant 0 : index
      %swap3A_55 = arith.constant 0 : index
      %swap3A_56 = vector.load %arg14[%swap3A_54, %swap3A_55] : memref<32x16xf32, #tpu.memory_space<vmem>>, vector<32x16xf32>
      tpu.vector_store %arg14[%swap3A_54, %swap3A_55], %dot_general3A_53 {strides = array<i32>} : memref<32x16xf32, #tpu.memory_space<vmem>>, vector<32x16xf32>,
    } else {
    }
    %le3A = arith.cmpi sle, %arg1, %sub3A_21 : i32
    %convert_element_type3A_24 = arith.extui %le3A : i1 to i32
    %cond3A_25 = arith.constant 0 : i32
    %cond3A_26 = arith.cmpi ne, %convert_element_type3A_24, %cond3A_25 : i32
    scf.if %cond3A_26 {
      %get3A_32 = arith.constant 0 : index
      %get3A_33 = arith.constant 0 : index
      %get3A_34 = arith.constant 0 : index
      %get3A_35 = arith.constant 0 : index
      %get3A_36 = vector.load %arg4[%get3A_32, %get3A_33, %get3A_34, %get3A_35] : memref<1x1x1x512xi32, #tpu.memory_space<vmem>>, vector<1x1x1x512xi32>
      %get3A_37 = vector.shape_cast %get3A_36 : vector<1x1x1x512xi32> to vector<1x512xi32>
      %get3A_38 = arith.constant 0 : index
      %get3A_39 = arith.constant 0 : index
      %get3A_40 = vector.load %arg5[%get3A_38, %get3A_39] : memref<16x1xi32, #tpu.memory_space<vmem>>, vector<16x1xi32>
      %eq3A_41 = vector.broadcast %get3A_40 : vector<16x1xi32> to vector<16x512xi32>
      %eq3A_42 = vector.broadcast %get3A_37 : vector<1x512xi32> to vector<16x512xi32>
      %eq3A_43 = arith.cmpi eq, %eq3A_41, %eq3A_42 : vector<16x512xi32>
      %convert_element_type3A_44 = arith.extui %eq3A_43 : vector<16x512xi1> to vector<16x512xi32>
      %convert_element_type3A_45 = arith.sitofp %convert_element_type3A_44 : vector<16x512xi32> to vector<16x512xf32>
      %reduce_max3A = arith.constant dense<0xFF800000> : vector<512xf32>
      %reduce_max3A_46 = vector.multi_reduction <maximumf>, %convert_element_type3A_45, %reduce_max3A [0] : vector<16x512xf32> to vector<512xf32>
      %broadcast_in_dim3A = vector.shape_cast %reduce_max3A_46 : vector<512xf32> to vector<1x512xf32>
      %get3A_47 = arith.constant 0 : index
      %get3A_48 = arith.constant 0 : index
      %get3A_49 = arith.constant 0 : index
      %get3A_50 = arith.constant 0 : index
      %get3A_51 = arith.constant 0 : index
      %get3A_52 = vector.load %arg8[%get3A_47, %get3A_48, %get3A_49, %get3A_50, %get3A_51] : memref<1x1x512x8x128xf32, #tpu.memory_space<vmem>>, vector<1x1x512x8x128xf32>
      %get3A_53 = vector.shape_cast %get3A_52 : vector<1x1x512x8x128xf32> to vector<512x8x128xf32>
      %get3A_54 = arith.constant 0 : index
      %get3A_55 = arith.constant 0 : index
      %get3A_56 = arith.constant 0 : index
      %get3A_57 = arith.constant 0 : index
      %get3A_58 = arith.constant 0 : index
      %get3A_59 = vector.load %arg9[%get3A_54, %get3A_55, %get3A_56, %get3A_57, %get3A_58] : memref<1x1x512x8x128xf32, #tpu.memory_space<vmem>>, vector<1x1x512x8x128xf32>
      %get3A_60 = vector.shape_cast %get3A_59 : vector<1x1x512x8x128xf32> to vector<512x8x128xf32>
      %get3A_61 = arith.constant 0 : index
      %get3A_62 = arith.constant 0 : index
      %get3A_63 = arith.constant 0 : index
      %get3A_64 = vector.load %arg3[%get3A_61, %get3A_62, %get3A_63] : memref<1x32x1024xf32, #tpu.memory_space<vmem>>, vector<1x32x1024xf32>
      %get3A_65 = vector.shape_cast %get3A_64 : vector<1x32x1024xf32> to vector<32x1024xf32>
      %slice3A = vector.extract_strided_slice %get3A_65 {offsets = [0, 0], sizes = [32, 128], strides = [1, 1]} : vector<32x1024xf32> to vector<32x128xf32>
      %slice3A_66 = vector.extract_strided_slice %get3A_53 {offsets = [0, 0, 0], sizes = [512, 1, 128], strides = [1, 1, 1]} : vector<512x8x128xf32> to vector<512x1x128xf32>
      %squeeze3A = vector.shape_cast %slice3A_66 : vector<512x1x128xf32> to vector<512x128xf32>
      %dot_general3A = arith.constant dense<0.000000e+00> : vector<32x512xf32>
      %dot_general3A_67 = tpu.matmul %slice3A, %squeeze3A, %dot_general3A {dimension_numbers = #tpu.dot_dimension_numbers<[1], [1], [0], [0], [0, 0, 1, 0], [], []>, transpose_lhs_hint = false} : vector<32x128xf32>, vector<512x128xf32>, vector<32x512xf32> -> vector<32x512xf32>
      %slice3A_68 = vector.extract_strided_slice %get3A_65 {offsets = [0, 128], sizes = [32, 128], strides = [1, 1]} : vector<32x1024xf32> to vector<32x128xf32>
      %slice3A_69 = vector.extract_strided_slice %get3A_53 {offsets = [0, 1, 0], sizes = [512, 1, 128], strides = [1, 1, 1]} : vector<512x8x128xf32> to vector<512x1x128xf32>
      %squeeze3A_70 = vector.shape_cast %slice3A_69 : vector<512x1x128xf32> to vector<512x128xf32>
      %dot_general3A_71 = arith.constant dense<0.000000e+00> : vector<32x512xf32>
      %dot_general3A_72 = tpu.matmul %slice3A_68, %squeeze3A_70, %dot_general3A_71 {dimension_numbers = #tpu.dot_dimension_numbers<[1], [1], [0], [0], [0, 0, 1, 0], [], []>, transpose_lhs_hint = false} : vector<32x128xf32>, vector<512x128xf32>, vector<32x512xf32> -> vector<32x512xf32>
      %add3A_73 = arith.addf %dot_general3A_67, %dot_general3A_72 : vector<32x512xf32>
      %slice3A_74 = vector.extract_strided_slice %get3A_65 {offsets = [0, 256], sizes = [32, 128], strides = [1, 1]} : vector<32x1024xf32> to vector<32x128xf32>
      %slice3A_75 = vector.extract_strided_slice %get3A_53 {offsets = [0, 2, 0], sizes = [512, 1, 128], strides = [1, 1, 1]} : vector<512x8x128xf32> to vector<512x1x128xf32>
      %squeeze3A_76 = vector.shape_cast %slice3A_75 : vector<512x1x128xf32> to vector<512x128xf32>
      %dot_general3A_77 = arith.constant dense<0.000000e+00> : vector<32x512xf32>
      %dot_general3A_78 = tpu.matmul %slice3A_74, %squeeze3A_76, %dot_general3A_77 {dimension_numbers = #tpu.dot_dimension_numbers<[1], [1], [0], [0], [0, 0, 1, 0], [], []>, transpose_lhs_hint = false} : vector<32x128xf32>, vector<512x128xf32>, vector<32x512xf32> -> vector<32x512xf32>
      %add3A_79 = arith.addf %add3A_73, %dot_general3A_78 : vector<32x512xf32>
      %slice3A_80 = vector.extract_strided_slice %get3A_65 {offsets = [0, 384], sizes = [32, 128], strides = [1, 1]} : vector<32x1024xf32> to vector<32x128xf32>
      %slice3A_81 = vector.extract_strided_slice %get3A_53 {offsets = [0, 3, 0], sizes = [512, 1, 128], strides = [1, 1, 1]} : vector<512x8x128xf32> to vector<512x1x128xf32>
      %squeeze3A_82 = vector.shape_cast %slice3A_81 : vector<512x1x128xf32> to vector<512x128xf32>
      %dot_general3A_83 = arith.constant dense<0.000000e+00> : vector<32x512xf32>
      %dot_general3A_84 = tpu.matmul %slice3A_80, %squeeze3A_82, %dot_general3A_83 {dimension_numbers = #tpu.dot_dimension_numbers<[1], [1], [0], [0], [0, 0, 1, 0], [], []>, transpose_lhs_hint = false} : vector<32x128xf32>, vector<512x128xf32>, vector<32x512xf32> -> vector<32x512xf32>
      %add3A_85 = arith.addf %add3A_79, %dot_general3A_84 : vector<32x512xf32>
      %slice3A_86 = vector.extract_strided_slice %get3A_65 {offsets = [0, 512], sizes = [32, 128], strides = [1, 1]} : vector<32x1024xf32> to vector<32x128xf32>
      %slice3A_87 = vector.extract_strided_slice %get3A_53 {offsets = [0, 4, 0], sizes = [512, 1, 128], strides = [1, 1, 1]} : vector<512x8x128xf32> to vector<512x1x128xf32>
      %squeeze3A_88 = vector.shape_cast %slice3A_87 : vector<512x1x128xf32> to vector<512x128xf32>
      %dot_general3A_89 = arith.constant dense<0.000000e+00> : vector<32x512xf32>
      %dot_general3A_90 = tpu.matmul %slice3A_86, %squeeze3A_88, %dot_general3A_89 {dimension_numbers = #tpu.dot_dimension_numbers<[1], [1], [0], [0], [0, 0, 1, 0], [], []>, transpose_lhs_hint = false} : vector<32x128xf32>, vector<512x128xf32>, vector<32x512xf32> -> vector<32x512xf32>
      %add3A_91 = arith.addf %add3A_85, %dot_general3A_90 : vector<32x512xf32>
      %slice3A_92 = vector.extract_strided_slice %get3A_65 {offsets = [0, 640], sizes = [32, 128], strides = [1, 1]} : vector<32x1024xf32> to vector<32x128xf32>
      %slice3A_93 = vector.extract_strided_slice %get3A_53 {offsets = [0, 5, 0], sizes = [512, 1, 128], strides = [1, 1, 1]} : vector<512x8x128xf32> to vector<512x1x128xf32>
      %squeeze3A_94 = vector.shape_cast %slice3A_93 : vector<512x1x128xf32> to vector<512x128xf32>
      %dot_general3A_95 = arith.constant dense<0.000000e+00> : vector<32x512xf32>
      %dot_general3A_96 = tpu.matmul %slice3A_92, %squeeze3A_94, %dot_general3A_95 {dimension_numbers = #tpu.dot_dimension_numbers<[1], [1], [0], [0], [0, 0, 1, 0], [], []>, transpose_lhs_hint = false} : vector<32x128xf32>, vector<512x128xf32>, vector<32x512xf32> -> vector<32x512xf32>
      %add3A_97 = arith.addf %add3A_91, %dot_general3A_96 : vector<32x512xf32>
      %slice3A_98 = vector.extract_strided_slice %get3A_65 {offsets = [0, 768], sizes = [32, 128], strides = [1, 1]} : vector<32x1024xf32> to vector<32x128xf32>
      %slice3A_99 = vector.extract_strided_slice %get3A_53 {offsets = [0, 6, 0], sizes = [512, 1, 128], strides = [1, 1, 1]} : vector<512x8x128xf32> to vector<512x1x128xf32>
      %squeeze3A_100 = vector.shape_cast %slice3A_99 : vector<512x1x128xf32> to vector<512x128xf32>
      %dot_general3A_101 = arith.constant dense<0.000000e+00> : vector<32x512xf32>
      %dot_general3A_102 = tpu.matmul %slice3A_98, %squeeze3A_100, %dot_general3A_101 {dimension_numbers = #tpu.dot_dimension_numbers<[1], [1], [0], [0], [0, 0, 1, 0], [], []>, transpose_lhs_hint = false} : vector<32x128xf32>, vector<512x128xf32>, vector<32x512xf32> -> vector<32x512xf32>
      %add3A_103 = arith.addf %add3A_97, %dot_general3A_102 : vector<32x512xf32>
      %slice3A_104 = vector.extract_strided_slice %get3A_65 {offsets = [0, 896], sizes = [32, 128], strides = [1, 1]} : vector<32x1024xf32> to vector<32x128xf32>
      %slice3A_105 = vector.extract_strided_slice %get3A_53 {offsets = [0, 7, 0], sizes = [512, 1, 128], strides = [1, 1, 1]} : vector<512x8x128xf32> to vector<512x1x128xf32>
      %squeeze3A_106 = vector.shape_cast %slice3A_105 : vector<512x1x128xf32> to vector<512x128xf32>
      %dot_general3A_107 = arith.constant dense<0.000000e+00> : vector<32x512xf32>
      %dot_general3A_108 = tpu.matmul %slice3A_104, %squeeze3A_106, %dot_general3A_107 {dimension_numbers = #tpu.dot_dimension_numbers<[1], [1], [0], [0], [0, 0, 1, 0], [], []>, transpose_lhs_hint = false} : vector<32x128xf32>, vector<512x128xf32>, vector<32x512xf32> -> vector<32x512xf32>
      %add3A_109 = arith.addf %add3A_103, %dot_general3A_108 : vector<32x512xf32>
      %get3A_110 = arith.constant 0 : index
      %get3A_111 = arith.constant 0 : index
      %get3A_112 = vector.load %arg14[%get3A_110, %get3A_111] : memref<32x16xf32, #tpu.memory_space<vmem>>, vector<32x16xf32>
      %dot_general3A_113 = arith.constant dense<0.000000e+00> : vector<32x512xf32>
      %dot_general3A_114 = tpu.matmul %get3A_112, %convert_element_type3A_45, %dot_general3A_113 {dimension_numbers = #tpu.dot_dimension_numbers<[1], [0], [0], [1], [0, 0, 1, 1], [], []>, transpose_lhs_hint = false} : vector<32x16xf32>, vector<16x512xf32>, vector<32x512xf32> -> vector<32x512xf32>
      %sub3A_115 = arith.constant 1.000000e+00 : f32
      %sub3A_116 = vector.broadcast %sub3A_115 : f32 to vector<1x512xf32>
      %sub3A_117 = arith.subf %sub3A_116, %broadcast_in_dim3A : vector<1x512xf32>
      %mul3A = vector.broadcast %sub3A_117 : vector<1x512xf32> to vector<32x512xf32>
      %mul3A_118 = arith.mulf %add3A_109, %mul3A : vector<32x512xf32>
      %add3A_119 = arith.addf %mul3A_118, %dot_general3A_114 : vector<32x512xf32>
      %mul3A_120 = arith.constant 0.0883883461 : f32
      %mul3A_121 = vector.broadcast %mul3A_120 : f32 to vector<32x512xf32>
      %mul3A_122 = arith.mulf %add3A_119, %mul3A_121 : vector<32x512xf32>
      %iota3A = tpu.iota {dimensions = array<i32: 1>} : vector<1x512xi32>
      %mul3A_123 = arith.constant 512 : i32
      %mul3A_124 = arith.muli %arg1, %mul3A_123 : i32
      %add3A_125 = vector.broadcast %mul3A_124 : i32 to vector<1x512xi32>
      %add3A_126 = arith.addi %iota3A, %add3A_125 : vector<1x512xi32>
      %lt3A = vector.broadcast %get3A_0 : i32 to vector<1x512xi32>
      %lt3A_127 = arith.cmpi slt, %add3A_126, %lt3A : vector<1x512xi32>
      %jit3A_128 = arith.constant -1.000000e+30 : f32
      %broadcast_in_dim3A_129 = vector.shape_cast %lt3A_127 : vector<1x512xi1> to vector<1x512xi1>
      %broadcast_in_dim3A_130 = vector.broadcast %broadcast_in_dim3A_129 : vector<1x512xi1> to vector<32x512xi1>
      %broadcast_in_dim3A_131 = vector.broadcast %jit3A_128 : f32 to vector<32x512xf32>
      %select_n3A_132 = arith.select %broadcast_in_dim3A_130, %mul3A_122, %broadcast_in_dim3A_131 : vector<32x512xi1>, vector<32x512xf32>
      %get3A_133 = arith.constant 0 : index
      %get3A_134 = arith.constant 0 : index
      %get3A_135 = vector.load %arg11[%get3A_133, %get3A_134] : memref<32x128xf32, #tpu.memory_space<vmem>>, vector<32x1xf32>
      %reduce_max3A_136 = arith.constant dense<0xFF800000> : vector<32xf32>
      %reduce_max3A_137 = vector.multi_reduction <maximumf>, %select_n3A_132, %reduce_max3A_136 [1] : vector<32x512xf32> to vector<32xf32>
      %broadcast_in_dim3A_138 = vector.shape_cast %reduce_max3A_137 : vector<32xf32> to vector<32x1xf32>
      %max3A = arith.maximumf %get3A_135, %broadcast_in_dim3A_138 : vector<32x1xf32>
      %sub3A_139 = arith.subf %get3A_135, %max3A : vector<32x1xf32>
      %exp3A = math.exp %sub3A_139 : vector<32x1xf32>
      %sub3A_140 = vector.broadcast %max3A : vector<32x1xf32> to vector<32x512xf32>
      %sub3A_141 = arith.subf %select_n3A_132, %sub3A_140 : vector<32x512xf32>
      %exp3A_142 = math.exp %sub3A_141 : vector<32x512xf32>
      %get3A_143 = arith.constant 0 : index
      %get3A_144 = arith.constant 0 : index
      %get3A_145 = vector.load %arg12[%get3A_143, %get3A_144] : memref<32x128xf32, #tpu.memory_space<vmem>>, vector<32x1xf32>
      %mul3A_146 = arith.mulf %get3A_145, %exp3A : vector<32x1xf32>
      %reduce_sum3A = arith.constant dense<0.000000e+00> : vector<32xf32>
      %reduce_sum3A_147 = vector.multi_reduction <add>, %exp3A_142, %reduce_sum3A [1] : vector<32x512xf32> to vector<32xf32>
      %broadcast_in_dim3A_148 = vector.shape_cast %reduce_sum3A_147 : vector<32xf32> to vector<32x1xf32>
      %add3A_149 = arith.addf %mul3A_146, %broadcast_in_dim3A_148 : vector<32x1xf32>
      %broadcast_in_dim3A_150 = vector.shape_cast %max3A : vector<32x1xf32> to vector<32x1xf32>
      %broadcast_in_dim3A_151 = vector.broadcast %broadcast_in_dim3A_150 : vector<32x1xf32> to vector<32x128xf32>
      %swap3A = arith.constant 0 : index
      %swap3A_152 = arith.constant 0 : index
      %swap3A_153 = vector.load %arg11[%swap3A, %swap3A_152] : memref<32x128xf32, #tpu.memory_space<vmem>>, vector<32x128xf32>
      tpu.vector_store %arg11[%swap3A, %swap3A_152], %broadcast_in_dim3A_151 {strides = array<i32>} : memref<32x128xf32, #tpu.memory_space<vmem>>, vector<32x128xf32>,
      %broadcast_in_dim3A_154 = vector.shape_cast %add3A_149 : vector<32x1xf32> to vector<32x1xf32>
      %broadcast_in_dim3A_155 = vector.broadcast %broadcast_in_dim3A_154 : vector<32x1xf32> to vector<32x128xf32>
      %swap3A_156 = arith.constant 0 : index
      %swap3A_157 = arith.constant 0 : index
      %swap3A_158 = vector.load %arg12[%swap3A_156, %swap3A_157] : memref<32x128xf32, #tpu.memory_space<vmem>>, vector<32x128xf32>
      tpu.vector_store %arg12[%swap3A_156, %swap3A_157], %broadcast_in_dim3A_155 {strides = array<i32>} : memref<32x128xf32, #tpu.memory_space<vmem>>, vector<32x128xf32>,
      %sub3A_159 = arith.constant 1.000000e+00 : f32
      %sub3A_160 = vector.broadcast %sub3A_159 : f32 to vector<1x512xf32>
      %sub3A_161 = arith.subf %sub3A_160, %broadcast_in_dim3A : vector<1x512xf32>
      %mul3A_162 = vector.broadcast %sub3A_161 : vector<1x512xf32> to vector<32x512xf32>
      %mul3A_163 = arith.mulf %exp3A_142, %mul3A_162 : vector<32x512xf32>
      %dot_general3A_164 = arith.constant dense<0.000000e+00> : vector<32x16xf32>
      %dot_general3A_165 = tpu.matmul %exp3A_142, %convert_element_type3A_45, %dot_general3A_164 {dimension_numbers = #tpu.dot_dimension_numbers<[1], [1], [0], [0], [0, 0, 1, 0], [], []>, transpose_lhs_hint = false} : vector<32x512xf32>, vector<16x512xf32>, vector<32x16xf32> -> vector<32x16xf32>
      %get3A_166 = arith.constant 0 : index
      %get3A_167 = arith.constant 0 : index
      %get3A_168 = vector.load %arg7[%get3A_166, %get3A_167] : memref<16x1024xf32, #tpu.memory_space<vmem>>, vector<16x1024xf32>
      %dot_general3A_169 = arith.constant dense<0.000000e+00> : vector<32x1024xf32>
      %dot_general3A_170 = tpu.matmul %dot_general3A_165, %get3A_168, %dot_general3A_169 {dimension_numbers = #tpu.dot_dimension_numbers<[1], [0], [0], [1], [0, 0, 1, 1], [], []>, transpose_lhs_hint = false} : vector<32x16xf32>, vector<16x1024xf32>, vector<32x1024xf32> -> vector<32x1024xf32>
      %lt3A_171 = arith.cmpi slt, %arg1, %sub3A_21 : i32
      %convert_element_type3A_172 = arith.extui %lt3A_171 : i1 to i32
      %cond3A_173 = arith.constant 0 : i32
      %cond3A_174 = arith.cmpi ne, %convert_element_type3A_172, %cond3A_173 : i32
      scf.if %cond3A_174 {
        %get3A_179 = arith.constant 0 : index
        %get3A_180 = arith.constant 0 : index
        %get3A_181 = vector.load %arg13[%get3A_179, %get3A_180] : memref<32x1024xf32, #tpu.memory_space<vmem>>, vector<32x128xf32>
        %mul3A_182 = vector.broadcast %exp3A : vector<32x1xf32> to vector<32x128xf32>
        %mul3A_183 = arith.mulf %get3A_181, %mul3A_182 : vector<32x128xf32>
        %slice3A_184 = vector.extract_strided_slice %dot_general3A_170 {offsets = [0, 0], sizes = [32, 128], strides = [1, 1]} : vector<32x1024xf32> to vector<32x128xf32>
        %add3A_185 = arith.addf %mul3A_183, %slice3A_184 : vector<32x128xf32>
        %slice3A_186 = vector.extract_strided_slice %get3A_60 {offsets = [0, 0, 0], sizes = [512, 1, 128], strides = [1, 1, 1]} : vector<512x8x128xf32> to vector<512x1x128xf32>
        %squeeze3A_187 = vector.shape_cast %slice3A_186 : vector<512x1x128xf32> to vector<512x128xf32>
        %dot_general3A_188 = arith.constant dense<0.000000e+00> : vector<32x128xf32>
        %dot_general3A_189 = tpu.matmul %mul3A_163, %squeeze3A_187, %dot_general3A_188 {dimension_numbers = #tpu.dot_dimension_numbers<[1], [0], [0], [1], [0, 0, 1, 1], [], []>, transpose_lhs_hint = false} : vector<32x512xf32>, vector<512x128xf32>, vector<32x128xf32> -> vector<32x128xf32>
        %add3A_190 = arith.addf %add3A_185, %dot_general3A_189 : vector<32x128xf32>
        %swap3A_191 = arith.constant 0 : index
        %swap3A_192 = arith.constant 0 : index
        %swap3A_193 = vector.load %arg13[%swap3A_191, %swap3A_192] : memref<32x1024xf32, #tpu.memory_space<vmem>>, vector<32x128xf32>
        tpu.vector_store %arg13[%swap3A_191, %swap3A_192], %add3A_190 {strides = array<i32>} : memref<32x1024xf32, #tpu.memory_space<vmem>>, vector<32x128xf32>,
        %get3A_194 = arith.constant 0 : index
        %get3A_195 = arith.constant 128 : index
        %get3A_196 = vector.load %arg13[%get3A_194, %get3A_195] : memref<32x1024xf32, #tpu.memory_space<vmem>>, vector<32x128xf32>
        %mul3A_197 = vector.broadcast %exp3A : vector<32x1xf32> to vector<32x128xf32>
        %mul3A_198 = arith.mulf %get3A_196, %mul3A_197 : vector<32x128xf32>
        %slice3A_199 = vector.extract_strided_slice %dot_general3A_170 {offsets = [0, 128], sizes = [32, 128], strides = [1, 1]} : vector<32x1024xf32> to vector<32x128xf32>
        %add3A_200 = arith.addf %mul3A_198, %slice3A_199 : vector<32x128xf32>
        %slice3A_201 = vector.extract_strided_slice %get3A_60 {offsets = [0, 1, 0], sizes = [512, 1, 128], strides = [1, 1, 1]} : vector<512x8x128xf32> to vector<512x1x128xf32>
        %squeeze3A_202 = vector.shape_cast %slice3A_201 : vector<512x1x128xf32> to vector<512x128xf32>
        %dot_general3A_203 = arith.constant dense<0.000000e+00> : vector<32x128xf32>
        %dot_general3A_204 = tpu.matmul %mul3A_163, %squeeze3A_202, %dot_general3A_203 {dimension_numbers = #tpu.dot_dimension_numbers<[1], [0], [0], [1], [0, 0, 1, 1], [], []>, transpose_lhs_hint = false} : vector<32x512xf32>, vector<512x128xf32>, vector<32x128xf32> -> vector<32x128xf32>
        %add3A_205 = arith.addf %add3A_200, %dot_general3A_204 : vector<32x128xf32>
        %swap3A_206 = arith.constant 0 : index
        %swap3A_207 = arith.constant 128 : index
        %swap3A_208 = vector.load %arg13[%swap3A_206, %swap3A_207] : memref<32x1024xf32, #tpu.memory_space<vmem>>, vector<32x128xf32>
        tpu.vector_store %arg13[%swap3A_206, %swap3A_207], %add3A_205 {strides = array<i32>} : memref<32x1024xf32, #tpu.memory_space<vmem>>, vector<32x128xf32>,
        %get3A_209 = arith.constant 0 : index
        %get3A_210 = arith.constant 256 : index
        %get3A_211 = vector.load %arg13[%get3A_209, %get3A_210] : memref<32x1024xf32, #tpu.memory_space<vmem>>, vector<32x128xf32>
        %mul3A_212 = vector.broadcast %exp3A : vector<32x1xf32> to vector<32x128xf32>
        %mul3A_213 = arith.mulf %get3A_211, %mul3A_212 : vector<32x128xf32>
        %slice3A_214 = vector.extract_strided_slice %dot_general3A_170 {offsets = [0, 256], sizes = [32, 128], strides = [1, 1]} : vector<32x1024xf32> to vector<32x128xf32>
        %add3A_215 = arith.addf %mul3A_213, %slice3A_214 : vector<32x128xf32>
        %slice3A_216 = vector.extract_strided_slice %get3A_60 {offsets = [0, 2, 0], sizes = [512, 1, 128], strides = [1, 1, 1]} : vector<512x8x128xf32> to vector<512x1x128xf32>
        %squeeze3A_217 = vector.shape_cast %slice3A_216 : vector<512x1x128xf32> to vector<512x128xf32>
        %dot_general3A_218 = arith.constant dense<0.000000e+00> : vector<32x128xf32>
        %dot_general3A_219 = tpu.matmul %mul3A_163, %squeeze3A_217, %dot_general3A_218 {dimension_numbers = #tpu.dot_dimension_numbers<[1], [0], [0], [1], [0, 0, 1, 1], [], []>, transpose_lhs_hint = false} : vector<32x512xf32>, vector<512x128xf32>, vector<32x128xf32> -> vector<32x128xf32>
        %add3A_220 = arith.addf %add3A_215, %dot_general3A_219 : vector<32x128xf32>
        %swap3A_221 = arith.constant 0 : index
        %swap3A_222 = arith.constant 256 : index
        %swap3A_223 = vector.load %arg13[%swap3A_221, %swap3A_222] : memref<32x1024xf32, #tpu.memory_space<vmem>>, vector<32x128xf32>
        tpu.vector_store %arg13[%swap3A_221, %swap3A_222], %add3A_220 {strides = array<i32>} : memref<32x1024xf32, #tpu.memory_space<vmem>>, vector<32x128xf32>,
        %get3A_224 = arith.constant 0 : index
        %get3A_225 = arith.constant 384 : index
        %get3A_226 = vector.load %arg13[%get3A_224, %get3A_225] : memref<32x1024xf32, #tpu.memory_space<vmem>>, vector<32x128xf32>
        %mul3A_227 = vector.broadcast %exp3A : vector<32x1xf32> to vector<32x128xf32>
        %mul3A_228 = arith.mulf %get3A_226, %mul3A_227 : vector<32x128xf32>
        %slice3A_229 = vector.extract_strided_slice %dot_general3A_170 {offsets = [0, 384], sizes = [32, 128], strides = [1, 1]} : vector<32x1024xf32> to vector<32x128xf32>
        %add3A_230 = arith.addf %mul3A_228, %slice3A_229 : vector<32x128xf32>
        %slice3A_231 = vector.extract_strided_slice %get3A_60 {offsets = [0, 3, 0], sizes = [512, 1, 128], strides = [1, 1, 1]} : vector<512x8x128xf32> to vector<512x1x128xf32>
        %squeeze3A_232 = vector.shape_cast %slice3A_231 : vector<512x1x128xf32> to vector<512x128xf32>
        %dot_general3A_233 = arith.constant dense<0.000000e+00> : vector<32x128xf32>
        %dot_general3A_234 = tpu.matmul %mul3A_163, %squeeze3A_232, %dot_general3A_233 {dimension_numbers = #tpu.dot_dimension_numbers<[1], [0], [0], [1], [0, 0, 1, 1], [], []>, transpose_lhs_hint = false} : vector<32x512xf32>, vector<512x128xf32>, vector<32x128xf32> -> vector<32x128xf32>
        %add3A_235 = arith.addf %add3A_230, %dot_general3A_234 : vector<32x128xf32>
        %swap3A_236 = arith.constant 0 : index
        %swap3A_237 = arith.constant 384 : index
        %swap3A_238 = vector.load %arg13[%swap3A_236, %swap3A_237] : memref<32x1024xf32, #tpu.memory_space<vmem>>, vector<32x128xf32>
        tpu.vector_store %arg13[%swap3A_236, %swap3A_237], %add3A_235 {strides = array<i32>} : memref<32x1024xf32, #tpu.memory_space<vmem>>, vector<32x128xf32>,
        %get3A_239 = arith.constant 0 : index
        %get3A_240 = arith.constant 512 : index
        %get3A_241 = vector.load %arg13[%get3A_239, %get3A_240] : memref<32x1024xf32, #tpu.memory_space<vmem>>, vector<32x128xf32>
        %mul3A_242 = vector.broadcast %exp3A : vector<32x1xf32> to vector<32x128xf32>
        %mul3A_243 = arith.mulf %get3A_241, %mul3A_242 : vector<32x128xf32>
        %slice3A_244 = vector.extract_strided_slice %dot_general3A_170 {offsets = [0, 512], sizes = [32, 128], strides = [1, 1]} : vector<32x1024xf32> to vector<32x128xf32>
        %add3A_245 = arith.addf %mul3A_243, %slice3A_244 : vector<32x128xf32>
        %slice3A_246 = vector.extract_strided_slice %get3A_60 {offsets = [0, 4, 0], sizes = [512, 1, 128], strides = [1, 1, 1]} : vector<512x8x128xf32> to vector<512x1x128xf32>
        %squeeze3A_247 = vector.shape_cast %slice3A_246 : vector<512x1x128xf32> to vector<512x128xf32>
        %dot_general3A_248 = arith.constant dense<0.000000e+00> : vector<32x128xf32>
        %dot_general3A_249 = tpu.matmul %mul3A_163, %squeeze3A_247, %dot_general3A_248 {dimension_numbers = #tpu.dot_dimension_numbers<[1], [0], [0], [1], [0, 0, 1, 1], [], []>, transpose_lhs_hint = false} : vector<32x512xf32>, vector<512x128xf32>, vector<32x128xf32> -> vector<32x128xf32>
        %add3A_250 = arith.addf %add3A_245, %dot_general3A_249 : vector<32x128xf32>
        %swap3A_251 = arith.constant 0 : index
        %swap3A_252 = arith.constant 512 : index
        %swap3A_253 = vector.load %arg13[%swap3A_251, %swap3A_252] : memref<32x1024xf32, #tpu.memory_space<vmem>>, vector<32x128xf32>
        tpu.vector_store %arg13[%swap3A_251, %swap3A_252], %add3A_250 {strides = array<i32>} : memref<32x1024xf32, #tpu.memory_space<vmem>>, vector<32x128xf32>,
        %get3A_254 = arith.constant 0 : index
        %get3A_255 = arith.constant 640 : index
        %get3A_256 = vector.load %arg13[%get3A_254, %get3A_255] : memref<32x1024xf32, #tpu.memory_space<vmem>>, vector<32x128xf32>
        %mul3A_257 = vector.broadcast %exp3A : vector<32x1xf32> to vector<32x128xf32>
        %mul3A_258 = arith.mulf %get3A_256, %mul3A_257 : vector<32x128xf32>
        %slice3A_259 = vector.extract_strided_slice %dot_general3A_170 {offsets = [0, 640], sizes = [32, 128], strides = [1, 1]} : vector<32x1024xf32> to vector<32x128xf32>
        %add3A_260 = arith.addf %mul3A_258, %slice3A_259 : vector<32x128xf32>
        %slice3A_261 = vector.extract_strided_slice %get3A_60 {offsets = [0, 5, 0], sizes = [512, 1, 128], strides = [1, 1, 1]} : vector<512x8x128xf32> to vector<512x1x128xf32>
        %squeeze3A_262 = vector.shape_cast %slice3A_261 : vector<512x1x128xf32> to vector<512x128xf32>
        %dot_general3A_263 = arith.constant dense<0.000000e+00> : vector<32x128xf32>
        %dot_general3A_264 = tpu.matmul %mul3A_163, %squeeze3A_262, %dot_general3A_263 {dimension_numbers = #tpu.dot_dimension_numbers<[1], [0], [0], [1], [0, 0, 1, 1], [], []>, transpose_lhs_hint = false} : vector<32x512xf32>, vector<512x128xf32>, vector<32x128xf32> -> vector<32x128xf32>
        %add3A_265 = arith.addf %add3A_260, %dot_general3A_264 : vector<32x128xf32>
        %swap3A_266 = arith.constant 0 : index
        %swap3A_267 = arith.constant 640 : index
        %swap3A_268 = vector.load %arg13[%swap3A_266, %swap3A_267] : memref<32x1024xf32, #tpu.memory_space<vmem>>, vector<32x128xf32>
        tpu.vector_store %arg13[%swap3A_266, %swap3A_267], %add3A_265 {strides = array<i32>} : memref<32x1024xf32, #tpu.memory_space<vmem>>, vector<32x128xf32>,
        %get3A_269 = arith.constant 0 : index
        %get3A_270 = arith.constant 768 : index
        %get3A_271 = vector.load %arg13[%get3A_269, %get3A_270] : memref<32x1024xf32, #tpu.memory_space<vmem>>, vector<32x128xf32>
        %mul3A_272 = vector.broadcast %exp3A : vector<32x1xf32> to vector<32x128xf32>
        %mul3A_273 = arith.mulf %get3A_271, %mul3A_272 : vector<32x128xf32>
        %slice3A_274 = vector.extract_strided_slice %dot_general3A_170 {offsets = [0, 768], sizes = [32, 128], strides = [1, 1]} : vector<32x1024xf32> to vector<32x128xf32>
        %add3A_275 = arith.addf %mul3A_273, %slice3A_274 : vector<32x128xf32>
        %slice3A_276 = vector.extract_strided_slice %get3A_60 {offsets = [0, 6, 0], sizes = [512, 1, 128], strides = [1, 1, 1]} : vector<512x8x128xf32> to vector<512x1x128xf32>
        %squeeze3A_277 = vector.shape_cast %slice3A_276 : vector<512x1x128xf32> to vector<512x128xf32>
        %dot_general3A_278 = arith.constant dense<0.000000e+00> : vector<32x128xf32>
        %dot_general3A_279 = tpu.matmul %mul3A_163, %squeeze3A_277, %dot_general3A_278 {dimension_numbers = #tpu.dot_dimension_numbers<[1], [0], [0], [1], [0, 0, 1, 1], [], []>, transpose_lhs_hint = false} : vector<32x512xf32>, vector<512x128xf32>, vector<32x128xf32> -> vector<32x128xf32>
        %add3A_280 = arith.addf %add3A_275, %dot_general3A_279 : vector<32x128xf32>
        %swap3A_281 = arith.constant 0 : index
        %swap3A_282 = arith.constant 768 : index
        %swap3A_283 = vector.load %arg13[%swap3A_281, %swap3A_282] : memref<32x1024xf32, #tpu.memory_space<vmem>>, vector<32x128xf32>
        tpu.vector_store %arg13[%swap3A_281, %swap3A_282], %add3A_280 {strides = array<i32>} : memref<32x1024xf32, #tpu.memory_space<vmem>>, vector<32x128xf32>,
        %get3A_284 = arith.constant 0 : index
        %get3A_285 = arith.constant 896 : index
        %get3A_286 = vector.load %arg13[%get3A_284, %get3A_285] : memref<32x1024xf32, #tpu.memory_space<vmem>>, vector<32x128xf32>
        %mul3A_287 = vector.broadcast %exp3A : vector<32x1xf32> to vector<32x128xf32>
        %mul3A_288 = arith.mulf %get3A_286, %mul3A_287 : vector<32x128xf32>
        %slice3A_289 = vector.extract_strided_slice %dot_general3A_170 {offsets = [0, 896], sizes = [32, 128], strides = [1, 1]} : vector<32x1024xf32> to vector<32x128xf32>
        %add3A_290 = arith.addf %mul3A_288, %slice3A_289 : vector<32x128xf32>
        %slice3A_291 = vector.extract_strided_slice %get3A_60 {offsets = [0, 7, 0], sizes = [512, 1, 128], strides = [1, 1, 1]} : vector<512x8x128xf32> to vector<512x1x128xf32>
        %squeeze3A_292 = vector.shape_cast %slice3A_291 : vector<512x1x128xf32> to vector<512x128xf32>
        %dot_general3A_293 = arith.constant dense<0.000000e+00> : vector<32x128xf32>
        %dot_general3A_294 = tpu.matmul %mul3A_163, %squeeze3A_292, %dot_general3A_293 {dimension_numbers = #tpu.dot_dimension_numbers<[1], [0], [0], [1], [0, 0, 1, 1], [], []>, transpose_lhs_hint = false} : vector<32x512xf32>, vector<512x128xf32>, vector<32x128xf32> -> vector<32x128xf32>
        %add3A_295 = arith.addf %add3A_290, %dot_general3A_294 : vector<32x128xf32>
        %swap3A_296 = arith.constant 0 : index
        %swap3A_297 = arith.constant 896 : index
        %swap3A_298 = vector.load %arg13[%swap3A_296, %swap3A_297] : memref<32x1024xf32, #tpu.memory_space<vmem>>, vector<32x128xf32>
        tpu.vector_store %arg13[%swap3A_296, %swap3A_297], %add3A_295 {strides = array<i32>} : memref<32x1024xf32, #tpu.memory_space<vmem>>, vector<32x128xf32>,
      } else {
      }
      %eq3A_175 = arith.cmpi eq, %arg1, %sub3A_21 : i32
      %convert_element_type3A_176 = arith.extui %eq3A_175 : i1 to i32
      %cond3A_177 = arith.constant 0 : i32
      %cond3A_178 = arith.cmpi ne, %convert_element_type3A_176, %cond3A_177 : i32
      scf.if %cond3A_178 {
        %iota3A_179 = tpu.iota {dimensions = array<i32: 0>} : vector<512x1xi32>
        %mul3A_180 = arith.constant 512 : i32
        %mul3A_181 = arith.muli %arg1, %mul3A_180 : i32
        %add3A_182 = vector.broadcast %mul3A_181 : i32 to vector<512x1xi32>
        %add3A_183 = arith.addi %iota3A_179, %add3A_182 : vector<512x1xi32>
        %get3A_184 = arith.constant 0 : index
        %get3A_185 = arith.constant 0 : index
        %get3A_186 = vector.load %arg13[%get3A_184, %get3A_185] : memref<32x1024xf32, #tpu.memory_space<vmem>>, vector<32x128xf32>
        %mul3A_187 = vector.broadcast %exp3A : vector<32x1xf32> to vector<32x128xf32>
        %mul3A_188 = arith.mulf %get3A_186, %mul3A_187 : vector<32x128xf32>
        %slice3A_189 = vector.extract_strided_slice %dot_general3A_170 {offsets = [0, 0], sizes = [32, 128], strides = [1, 1]} : vector<32x1024xf32> to vector<32x128xf32>
        %add3A_190 = arith.addf %mul3A_188, %slice3A_189 : vector<32x128xf32>
        %lt3A_191 = vector.broadcast %get3A_0 : i32 to vector<512x1xi32>
        %lt3A_192 = arith.cmpi slt, %add3A_183, %lt3A_191 : vector<512x1xi32>
        %slice3A_193 = vector.extract_strided_slice %get3A_60 {offsets = [0, 0, 0], sizes = [512, 1, 128], strides = [1, 1, 1]} : vector<512x8x128xf32> to vector<512x1x128xf32>
        %squeeze3A_194 = vector.shape_cast %slice3A_193 : vector<512x1x128xf32> to vector<512x128xf32>
        %jit3A_195 = arith.constant 0.000000e+00 : f32
        %broadcast_in_dim3A_196 = vector.shape_cast %lt3A_192 : vector<512x1xi1> to vector<512x1xi1>
        %broadcast_in_dim3A_197 = vector.broadcast %broadcast_in_dim3A_196 : vector<512x1xi1> to vector<512x128xi1>
        %broadcast_in_dim3A_198 = vector.broadcast %jit3A_195 : f32 to vector<512x128xf32>
        %select_n3A_199 = arith.select %broadcast_in_dim3A_197, %squeeze3A_194, %broadcast_in_dim3A_198 : vector<512x128xi1>, vector<512x128xf32>
        %dot_general3A_200 = arith.constant dense<0.000000e+00> : vector<32x128xf32>
        %dot_general3A_201 = tpu.matmul %mul3A_163, %select_n3A_199, %dot_general3A_200 {dimension_numbers = #tpu.dot_dimension_numbers<[1], [0], [0], [1], [0, 0, 1, 1], [], []>, transpose_lhs_hint = false} : vector<32x512xf32>, vector<512x128xf32>, vector<32x128xf32> -> vector<32x128xf32>
        %add3A_202 = arith.addf %add3A_190, %dot_general3A_201 : vector<32x128xf32>
        %swap3A_203 = arith.constant 0 : index
        %swap3A_204 = arith.constant 0 : index
        %swap3A_205 = vector.load %arg13[%swap3A_203, %swap3A_204] : memref<32x1024xf32, #tpu.memory_space<vmem>>, vector<32x128xf32>
        tpu.vector_store %arg13[%swap3A_203, %swap3A_204], %add3A_202 {strides = array<i32>} : memref<32x1024xf32, #tpu.memory_space<vmem>>, vector<32x128xf32>,
        %get3A_206 = arith.constant 0 : index
        %get3A_207 = arith.constant 128 : index
        %get3A_208 = vector.load %arg13[%get3A_206, %get3A_207] : memref<32x1024xf32, #tpu.memory_space<vmem>>, vector<32x128xf32>
        %mul3A_209 = vector.broadcast %exp3A : vector<32x1xf32> to vector<32x128xf32>
        %mul3A_210 = arith.mulf %get3A_208, %mul3A_209 : vector<32x128xf32>
        %slice3A_211 = vector.extract_strided_slice %dot_general3A_170 {offsets = [0, 128], sizes = [32, 128], strides = [1, 1]} : vector<32x1024xf32> to vector<32x128xf32>
        %add3A_212 = arith.addf %mul3A_210, %slice3A_211 : vector<32x128xf32>
        %lt3A_213 = vector.broadcast %get3A_0 : i32 to vector<512x1xi32>
        %lt3A_214 = arith.cmpi slt, %add3A_183, %lt3A_213 : vector<512x1xi32>
        %slice3A_215 = vector.extract_strided_slice %get3A_60 {offsets = [0, 1, 0], sizes = [512, 1, 128], strides = [1, 1, 1]} : vector<512x8x128xf32> to vector<512x1x128xf32>
        %squeeze3A_216 = vector.shape_cast %slice3A_215 : vector<512x1x128xf32> to vector<512x128xf32>
        %jit3A_217 = arith.constant 0.000000e+00 : f32
        %broadcast_in_dim3A_218 = vector.shape_cast %lt3A_214 : vector<512x1xi1> to vector<512x1xi1>
        %broadcast_in_dim3A_219 = vector.broadcast %broadcast_in_dim3A_218 : vector<512x1xi1> to vector<512x128xi1>
        %broadcast_in_dim3A_220 = vector.broadcast %jit3A_217 : f32 to vector<512x128xf32>
        %select_n3A_221 = arith.select %broadcast_in_dim3A_219, %squeeze3A_216, %broadcast_in_dim3A_220 : vector<512x128xi1>, vector<512x128xf32>
        %dot_general3A_222 = arith.constant dense<0.000000e+00> : vector<32x128xf32>
        %dot_general3A_223 = tpu.matmul %mul3A_163, %select_n3A_221, %dot_general3A_222 {dimension_numbers = #tpu.dot_dimension_numbers<[1], [0], [0], [1], [0, 0, 1, 1], [], []>, transpose_lhs_hint = false} : vector<32x512xf32>, vector<512x128xf32>, vector<32x128xf32> -> vector<32x128xf32>
        %add3A_224 = arith.addf %add3A_212, %dot_general3A_223 : vector<32x128xf32>
        %swap3A_225 = arith.constant 0 : index
        %swap3A_226 = arith.constant 128 : index
        %swap3A_227 = vector.load %arg13[%swap3A_225, %swap3A_226] : memref<32x1024xf32, #tpu.memory_space<vmem>>, vector<32x128xf32>
        tpu.vector_store %arg13[%swap3A_225, %swap3A_226], %add3A_224 {strides = array<i32>} : memref<32x1024xf32, #tpu.memory_space<vmem>>, vector<32x128xf32>,
        %get3A_228 = arith.constant 0 : index
        %get3A_229 = arith.constant 256 : index
        %get3A_230 = vector.load %arg13[%get3A_228, %get3A_229] : memref<32x1024xf32, #tpu.memory_space<vmem>>, vector<32x128xf32>
        %mul3A_231 = vector.broadcast %exp3A : vector<32x1xf32> to vector<32x128xf32>
        %mul3A_232 = arith.mulf %get3A_230, %mul3A_231 : vector<32x128xf32>
        %slice3A_233 = vector.extract_strided_slice %dot_general3A_170 {offsets = [0, 256], sizes = [32, 128], strides = [1, 1]} : vector<32x1024xf32> to vector<32x128xf32>
        %add3A_234 = arith.addf %mul3A_232, %slice3A_233 : vector<32x128xf32>
        %lt3A_235 = vector.broadcast %get3A_0 : i32 to vector<512x1xi32>
        %lt3A_236 = arith.cmpi slt, %add3A_183, %lt3A_235 : vector<512x1xi32>
        %slice3A_237 = vector.extract_strided_slice %get3A_60 {offsets = [0, 2, 0], sizes = [512, 1, 128], strides = [1, 1, 1]} : vector<512x8x128xf32> to vector<512x1x128xf32>
        %squeeze3A_238 = vector.shape_cast %slice3A_237 : vector<512x1x128xf32> to vector<512x128xf32>
        %jit3A_239 = arith.constant 0.000000e+00 : f32
        %broadcast_in_dim3A_240 = vector.shape_cast %lt3A_236 : vector<512x1xi1> to vector<512x1xi1>
        %broadcast_in_dim3A_241 = vector.broadcast %broadcast_in_dim3A_240 : vector<512x1xi1> to vector<512x128xi1>
        %broadcast_in_dim3A_242 = vector.broadcast %jit3A_239 : f32 to vector<512x128xf32>
        %select_n3A_243 = arith.select %broadcast_in_dim3A_241, %squeeze3A_238, %broadcast_in_dim3A_242 : vector<512x128xi1>, vector<512x128xf32>
        %dot_general3A_244 = arith.constant dense<0.000000e+00> : vector<32x128xf32>
        %dot_general3A_245 = tpu.matmul %mul3A_163, %select_n3A_243, %dot_general3A_244 {dimension_numbers = #tpu.dot_dimension_numbers<[1], [0], [0], [1], [0, 0, 1, 1], [], []>, transpose_lhs_hint = false} : vector<32x512xf32>, vector<512x128xf32>, vector<32x128xf32> -> vector<32x128xf32>
        %add3A_246 = arith.addf %add3A_234, %dot_general3A_245 : vector<32x128xf32>
        %swap3A_247 = arith.constant 0 : index
        %swap3A_248 = arith.constant 256 : index
        %swap3A_249 = vector.load %arg13[%swap3A_247, %swap3A_248] : memref<32x1024xf32, #tpu.memory_space<vmem>>, vector<32x128xf32>
        tpu.vector_store %arg13[%swap3A_247, %swap3A_248], %add3A_246 {strides = array<i32>} : memref<32x1024xf32, #tpu.memory_space<vmem>>, vector<32x128xf32>,
        %get3A_250 = arith.constant 0 : index
        %get3A_251 = arith.constant 384 : index
        %get3A_252 = vector.load %arg13[%get3A_250, %get3A_251] : memref<32x1024xf32, #tpu.memory_space<vmem>>, vector<32x128xf32>
        %mul3A_253 = vector.broadcast %exp3A : vector<32x1xf32> to vector<32x128xf32>
        %mul3A_254 = arith.mulf %get3A_252, %mul3A_253 : vector<32x128xf32>
        %slice3A_255 = vector.extract_strided_slice %dot_general3A_170 {offsets = [0, 384], sizes = [32, 128], strides = [1, 1]} : vector<32x1024xf32> to vector<32x128xf32>
        %add3A_256 = arith.addf %mul3A_254, %slice3A_255 : vector<32x128xf32>
        %lt3A_257 = vector.broadcast %get3A_0 : i32 to vector<512x1xi32>
        %lt3A_258 = arith.cmpi slt, %add3A_183, %lt3A_257 : vector<512x1xi32>
        %slice3A_259 = vector.extract_strided_slice %get3A_60 {offsets = [0, 3, 0], sizes = [512, 1, 128], strides = [1, 1, 1]} : vector<512x8x128xf32> to vector<512x1x128xf32>
        %squeeze3A_260 = vector.shape_cast %slice3A_259 : vector<512x1x128xf32> to vector<512x128xf32>
        %jit3A_261 = arith.constant 0.000000e+00 : f32
        %broadcast_in_dim3A_262 = vector.shape_cast %lt3A_258 : vector<512x1xi1> to vector<512x1xi1>
        %broadcast_in_dim3A_263 = vector.broadcast %broadcast_in_dim3A_262 : vector<512x1xi1> to vector<512x128xi1>
        %broadcast_in_dim3A_264 = vector.broadcast %jit3A_261 : f32 to vector<512x128xf32>
        %select_n3A_265 = arith.select %broadcast_in_dim3A_263, %squeeze3A_260, %broadcast_in_dim3A_264 : vector<512x128xi1>, vector<512x128xf32>
        %dot_general3A_266 = arith.constant dense<0.000000e+00> : vector<32x128xf32>
        %dot_general3A_267 = tpu.matmul %mul3A_163, %select_n3A_265, %dot_general3A_266 {dimension_numbers = #tpu.dot_dimension_numbers<[1], [0], [0], [1], [0, 0, 1, 1], [], []>, transpose_lhs_hint = false} : vector<32x512xf32>, vector<512x128xf32>, vector<32x128xf32> -> vector<32x128xf32>
        %add3A_268 = arith.addf %add3A_256, %dot_general3A_267 : vector<32x128xf32>
        %swap3A_269 = arith.constant 0 : index
        %swap3A_270 = arith.constant 384 : index
        %swap3A_271 = vector.load %arg13[%swap3A_269, %swap3A_270] : memref<32x1024xf32, #tpu.memory_space<vmem>>, vector<32x128xf32>
        tpu.vector_store %arg13[%swap3A_269, %swap3A_270], %add3A_268 {strides = array<i32>} : memref<32x1024xf32, #tpu.memory_space<vmem>>, vector<32x128xf32>,
        %get3A_272 = arith.constant 0 : index
        %get3A_273 = arith.constant 512 : index
        %get3A_274 = vector.load %arg13[%get3A_272, %get3A_273] : memref<32x1024xf32, #tpu.memory_space<vmem>>, vector<32x128xf32>
        %mul3A_275 = vector.broadcast %exp3A : vector<32x1xf32> to vector<32x128xf32>
        %mul3A_276 = arith.mulf %get3A_274, %mul3A_275 : vector<32x128xf32>
        %slice3A_277 = vector.extract_strided_slice %dot_general3A_170 {offsets = [0, 512], sizes = [32, 128], strides = [1, 1]} : vector<32x1024xf32> to vector<32x128xf32>
        %add3A_278 = arith.addf %mul3A_276, %slice3A_277 : vector<32x128xf32>
        %lt3A_279 = vector.broadcast %get3A_0 : i32 to vector<512x1xi32>
        %lt3A_280 = arith.cmpi slt, %add3A_183, %lt3A_279 : vector<512x1xi32>
        %slice3A_281 = vector.extract_strided_slice %get3A_60 {offsets = [0, 4, 0], sizes = [512, 1, 128], strides = [1, 1, 1]} : vector<512x8x128xf32> to vector<512x1x128xf32>
        %squeeze3A_282 = vector.shape_cast %slice3A_281 : vector<512x1x128xf32> to vector<512x128xf32>
        %jit3A_283 = arith.constant 0.000000e+00 : f32
        %broadcast_in_dim3A_284 = vector.shape_cast %lt3A_280 : vector<512x1xi1> to vector<512x1xi1>
        %broadcast_in_dim3A_285 = vector.broadcast %broadcast_in_dim3A_284 : vector<512x1xi1> to vector<512x128xi1>
        %broadcast_in_dim3A_286 = vector.broadcast %jit3A_283 : f32 to vector<512x128xf32>
        %select_n3A_287 = arith.select %broadcast_in_dim3A_285, %squeeze3A_282, %broadcast_in_dim3A_286 : vector<512x128xi1>, vector<512x128xf32>
        %dot_general3A_288 = arith.constant dense<0.000000e+00> : vector<32x128xf32>
        %dot_general3A_289 = tpu.matmul %mul3A_163, %select_n3A_287, %dot_general3A_288 {dimension_numbers = #tpu.dot_dimension_numbers<[1], [0], [0], [1], [0, 0, 1, 1], [], []>, transpose_lhs_hint = false} : vector<32x512xf32>, vector<512x128xf32>, vector<32x128xf32> -> vector<32x128xf32>
        %add3A_290 = arith.addf %add3A_278, %dot_general3A_289 : vector<32x128xf32>
        %swap3A_291 = arith.constant 0 : index
        %swap3A_292 = arith.constant 512 : index
        %swap3A_293 = vector.load %arg13[%swap3A_291, %swap3A_292] : memref<32x1024xf32, #tpu.memory_space<vmem>>, vector<32x128xf32>
        tpu.vector_store %arg13[%swap3A_291, %swap3A_292], %add3A_290 {strides = array<i32>} : memref<32x1024xf32, #tpu.memory_space<vmem>>, vector<32x128xf32>,
        %get3A_294 = arith.constant 0 : index
        %get3A_295 = arith.constant 640 : index
        %get3A_296 = vector.load %arg13[%get3A_294, %get3A_295] : memref<32x1024xf32, #tpu.memory_space<vmem>>, vector<32x128xf32>
        %mul3A_297 = vector.broadcast %exp3A : vector<32x1xf32> to vector<32x128xf32>
        %mul3A_298 = arith.mulf %get3A_296, %mul3A_297 : vector<32x128xf32>
        %slice3A_299 = vector.extract_strided_slice %dot_general3A_170 {offsets = [0, 640], sizes = [32, 128], strides = [1, 1]} : vector<32x1024xf32> to vector<32x128xf32>
        %add3A_300 = arith.addf %mul3A_298, %slice3A_299 : vector<32x128xf32>
        %lt3A_301 = vector.broadcast %get3A_0 : i32 to vector<512x1xi32>
        %lt3A_302 = arith.cmpi slt, %add3A_183, %lt3A_301 : vector<512x1xi32>
        %slice3A_303 = vector.extract_strided_slice %get3A_60 {offsets = [0, 5, 0], sizes = [512, 1, 128], strides = [1, 1, 1]} : vector<512x8x128xf32> to vector<512x1x128xf32>
        %squeeze3A_304 = vector.shape_cast %slice3A_303 : vector<512x1x128xf32> to vector<512x128xf32>
        %jit3A_305 = arith.constant 0.000000e+00 : f32
        %broadcast_in_dim3A_306 = vector.shape_cast %lt3A_302 : vector<512x1xi1> to vector<512x1xi1>
        %broadcast_in_dim3A_307 = vector.broadcast %broadcast_in_dim3A_306 : vector<512x1xi1> to vector<512x128xi1>
        %broadcast_in_dim3A_308 = vector.broadcast %jit3A_305 : f32 to vector<512x128xf32>
        %select_n3A_309 = arith.select %broadcast_in_dim3A_307, %squeeze3A_304, %broadcast_in_dim3A_308 : vector<512x128xi1>, vector<512x128xf32>
        %dot_general3A_310 = arith.constant dense<0.000000e+00> : vector<32x128xf32>
        %dot_general3A_311 = tpu.matmul %mul3A_163, %select_n3A_309, %dot_general3A_310 {dimension_numbers = #tpu.dot_dimension_numbers<[1], [0], [0], [1], [0, 0, 1, 1], [], []>, transpose_lhs_hint = false} : vector<32x512xf32>, vector<512x128xf32>, vector<32x128xf32> -> vector<32x128xf32>
        %add3A_312 = arith.addf %add3A_300, %dot_general3A_311 : vector<32x128xf32>
        %swap3A_313 = arith.constant 0 : index
        %swap3A_314 = arith.constant 640 : index
        %swap3A_315 = vector.load %arg13[%swap3A_313, %swap3A_314] : memref<32x1024xf32, #tpu.memory_space<vmem>>, vector<32x128xf32>
        tpu.vector_store %arg13[%swap3A_313, %swap3A_314], %add3A_312 {strides = array<i32>} : memref<32x1024xf32, #tpu.memory_space<vmem>>, vector<32x128xf32>,
        %get3A_316 = arith.constant 0 : index
        %get3A_317 = arith.constant 768 : index
        %get3A_318 = vector.load %arg13[%get3A_316, %get3A_317] : memref<32x1024xf32, #tpu.memory_space<vmem>>, vector<32x128xf32>
        %mul3A_319 = vector.broadcast %exp3A : vector<32x1xf32> to vector<32x128xf32>
        %mul3A_320 = arith.mulf %get3A_318, %mul3A_319 : vector<32x128xf32>
        %slice3A_321 = vector.extract_strided_slice %dot_general3A_170 {offsets = [0, 768], sizes = [32, 128], strides = [1, 1]} : vector<32x1024xf32> to vector<32x128xf32>
        %add3A_322 = arith.addf %mul3A_320, %slice3A_321 : vector<32x128xf32>
        %lt3A_323 = vector.broadcast %get3A_0 : i32 to vector<512x1xi32>
        %lt3A_324 = arith.cmpi slt, %add3A_183, %lt3A_323 : vector<512x1xi32>
        %slice3A_325 = vector.extract_strided_slice %get3A_60 {offsets = [0, 6, 0], sizes = [512, 1, 128], strides = [1, 1, 1]} : vector<512x8x128xf32> to vector<512x1x128xf32>
        %squeeze3A_326 = vector.shape_cast %slice3A_325 : vector<512x1x128xf32> to vector<512x128xf32>
        %jit3A_327 = arith.constant 0.000000e+00 : f32
        %broadcast_in_dim3A_328 = vector.shape_cast %lt3A_324 : vector<512x1xi1> to vector<512x1xi1>
        %broadcast_in_dim3A_329 = vector.broadcast %broadcast_in_dim3A_328 : vector<512x1xi1> to vector<512x128xi1>
        %broadcast_in_dim3A_330 = vector.broadcast %jit3A_327 : f32 to vector<512x128xf32>
        %select_n3A_331 = arith.select %broadcast_in_dim3A_329, %squeeze3A_326, %broadcast_in_dim3A_330 : vector<512x128xi1>, vector<512x128xf32>
        %dot_general3A_332 = arith.constant dense<0.000000e+00> : vector<32x128xf32>
        %dot_general3A_333 = tpu.matmul %mul3A_163, %select_n3A_331, %dot_general3A_332 {dimension_numbers = #tpu.dot_dimension_numbers<[1], [0], [0], [1], [0, 0, 1, 1], [], []>, transpose_lhs_hint = false} : vector<32x512xf32>, vector<512x128xf32>, vector<32x128xf32> -> vector<32x128xf32>
        %add3A_334 = arith.addf %add3A_322, %dot_general3A_333 : vector<32x128xf32>
        %swap3A_335 = arith.constant 0 : index
        %swap3A_336 = arith.constant 768 : index
        %swap3A_337 = vector.load %arg13[%swap3A_335, %swap3A_336] : memref<32x1024xf32, #tpu.memory_space<vmem>>, vector<32x128xf32>
        tpu.vector_store %arg13[%swap3A_335, %swap3A_336], %add3A_334 {strides = array<i32>} : memref<32x1024xf32, #tpu.memory_space<vmem>>, vector<32x128xf32>,
        %get3A_338 = arith.constant 0 : index
        %get3A_339 = arith.constant 896 : index
        %get3A_340 = vector.load %arg13[%get3A_338, %get3A_339] : memref<32x1024xf32, #tpu.memory_space<vmem>>, vector<32x128xf32>
        %mul3A_341 = vector.broadcast %exp3A : vector<32x1xf32> to vector<32x128xf32>
        %mul3A_342 = arith.mulf %get3A_340, %mul3A_341 : vector<32x128xf32>
        %slice3A_343 = vector.extract_strided_slice %dot_general3A_170 {offsets = [0, 896], sizes = [32, 128], strides = [1, 1]} : vector<32x1024xf32> to vector<32x128xf32>
        %add3A_344 = arith.addf %mul3A_342, %slice3A_343 : vector<32x128xf32>
        %lt3A_345 = vector.broadcast %get3A_0 : i32 to vector<512x1xi32>
        %lt3A_346 = arith.cmpi slt, %add3A_183, %lt3A_345 : vector<512x1xi32>
        %slice3A_347 = vector.extract_strided_slice %get3A_60 {offsets = [0, 7, 0], sizes = [512, 1, 128], strides = [1, 1, 1]} : vector<512x8x128xf32> to vector<512x1x128xf32>
        %squeeze3A_348 = vector.shape_cast %slice3A_347 : vector<512x1x128xf32> to vector<512x128xf32>
        %jit3A_349 = arith.constant 0.000000e+00 : f32
        %broadcast_in_dim3A_350 = vector.shape_cast %lt3A_346 : vector<512x1xi1> to vector<512x1xi1>
        %broadcast_in_dim3A_351 = vector.broadcast %broadcast_in_dim3A_350 : vector<512x1xi1> to vector<512x128xi1>
        %broadcast_in_dim3A_352 = vector.broadcast %jit3A_349 : f32 to vector<512x128xf32>
        %select_n3A_353 = arith.select %broadcast_in_dim3A_351, %squeeze3A_348, %broadcast_in_dim3A_352 : vector<512x128xi1>, vector<512x128xf32>
        %dot_general3A_354 = arith.constant dense<0.000000e+00> : vector<32x128xf32>
        %dot_general3A_355 = tpu.matmul %mul3A_163, %select_n3A_353, %dot_general3A_354 {dimension_numbers = #tpu.dot_dimension_numbers<[1], [0], [0], [1], [0, 0, 1, 1], [], []>, transpose_lhs_hint = false} : vector<32x512xf32>, vector<512x128xf32>, vector<32x128xf32> -> vector<32x128xf32>
        %add3A_356 = arith.addf %add3A_344, %dot_general3A_355 : vector<32x128xf32>
        %swap3A_357 = arith.constant 0 : index
        %swap3A_358 = arith.constant 896 : index
        %swap3A_359 = vector.load %arg13[%swap3A_357, %swap3A_358] : memref<32x1024xf32, #tpu.memory_space<vmem>>, vector<32x128xf32>
        tpu.vector_store %arg13[%swap3A_357, %swap3A_358], %add3A_356 {strides = array<i32>} : memref<32x1024xf32, #tpu.memory_space<vmem>>, vector<32x128xf32>,
      } else {
      }
    } else {
    }
    %eq3A_27 = arith.constant 3 : i32
    %eq3A_28 = arith.cmpi eq, %arg1, %eq3A_27 : i32
    %convert_element_type3A_29 = arith.extui %eq3A_28 : i1 to i32
    %cond3A_30 = arith.constant 0 : i32
    %cond3A_31 = arith.cmpi ne, %convert_element_type3A_29, %cond3A_30 : i32
    scf.if %cond3A_31 {
      %get3A_32 = arith.constant 0 : index
      %get3A_33 = arith.constant 0 : index
      %get3A_34 = vector.load %arg13[%get3A_32, %get3A_33] : memref<32x1024xf32, #tpu.memory_space<vmem>>, vector<32x1024xf32>
      %get3A_35 = arith.constant 0 : index
      %get3A_36 = arith.constant 0 : index
      %get3A_37 = vector.load %arg12[%get3A_35, %get3A_36] : memref<32x128xf32, #tpu.memory_space<vmem>>, vector<32x1xf32>
      %div3A_38 = vector.broadcast %get3A_37 : vector<32x1xf32> to vector<32x1024xf32>
      %div3A_39 = arith.divf %get3A_34, %div3A_38 : vector<32x1024xf32>
      %iota3A = tpu.iota {dimensions = array<i32: 0>} : vector<32x1xi32>
      %jit3A_40 = arith.constant 4 : i32
      %div3A_41 = vector.broadcast %jit3A_40 : i32 to vector<32x1xi32>
      %div3A_42 = arith.divsi %iota3A, %div3A_41 : vector<32x1xi32>
      %sign3A_43 = arith.constant 0 : i32
      %sign3A_44 = vector.broadcast %sign3A_43 : i32 to vector<32x1xi32>
      %sign3A_45 = arith.cmpi sgt, %iota3A, %sign3A_44 : vector<32x1xi32>
      %sign3A_46 = arith.extui %sign3A_45 : vector<32x1xi1> to vector<32x1xi32>
      %sign3A_47 = arith.constant 0 : i32
      %sign3A_48 = vector.broadcast %sign3A_47 : i32 to vector<32x1xi32>
      %sign3A_49 = arith.cmpi slt, %iota3A, %sign3A_48 : vector<32x1xi32>
      %sign3A_50 = arith.extui %sign3A_49 : vector<32x1xi1> to vector<32x1xi32>
      %sign3A_51 = arith.subi %sign3A_46, %sign3A_50 : vector<32x1xi32>
      %sign3A_52 = arith.constant 0 : i32
      %sign3A_53 = arith.cmpi sgt, %jit3A_40, %sign3A_52 : i32
      %sign3A_54 = arith.extui %sign3A_53 : i1 to i32
      %sign3A_55 = arith.constant 0 : i32
      %sign3A_56 = arith.cmpi slt, %jit3A_40, %sign3A_55 : i32
      %sign3A_57 = arith.extui %sign3A_56 : i1 to i32
      %sign3A_58 = arith.subi %sign3A_54, %sign3A_57 : i32
      %ne3A_59 = vector.broadcast %sign3A_58 : i32 to vector<32x1xi32>
      %ne3A_60 = arith.cmpi ne, %sign3A_51, %ne3A_59 : vector<32x1xi32>
      %rem3A_61 = vector.broadcast %jit3A_40 : i32 to vector<32x1xi32>
      %rem3A_62 = arith.remsi %iota3A, %rem3A_61 : vector<32x1xi32>
      %ne3A_63 = arith.constant 0 : i32
      %ne3A_64 = vector.broadcast %ne3A_63 : i32 to vector<32x1xi32>
      %ne3A_65 = arith.cmpi ne, %rem3A_62, %ne3A_64 : vector<32x1xi32>
      %and3A_66 = arith.andi %ne3A_60, %ne3A_65 : vector<32x1xi1>
      %sub3A_67 = arith.constant 1 : i32
      %sub3A_68 = vector.broadcast %sub3A_67 : i32 to vector<32x1xi32>
      %sub3A_69 = arith.subi %div3A_42, %sub3A_68 : vector<32x1xi32>
      %select_n3A_70 = arith.select %and3A_66, %sub3A_69, %div3A_42 : vector<32x1xi1>, vector<32x1xi32>
      %broadcast_in_dim3A = arith.constant 0.000000e+00 : f32
      %broadcast_in_dim3A_71 = vector.broadcast %broadcast_in_dim3A : f32 to vector<32x128xf32>
      %eq3A_72 = arith.constant 0 : i32
      %eq3A_73 = vector.broadcast %eq3A_72 : i32 to vector<32x1xi32>
      %eq3A_74 = arith.cmpi eq, %select_n3A_70, %eq3A_73 : vector<32x1xi32>
      %slice3A = vector.extract_strided_slice %div3A_39 {offsets = [0, 0], sizes = [32, 128], strides = [1, 1]} : vector<32x1024xf32> to vector<32x128xf32>
      %jit3A_75 = arith.constant 0.000000e+00 : f32
      %broadcast_in_dim3A_76 = vector.shape_cast %eq3A_74 : vector<32x1xi1> to vector<32x1xi1>
      %broadcast_in_dim3A_77 = vector.broadcast %broadcast_in_dim3A_76 : vector<32x1xi1> to vector<32x128xi1>
      %broadcast_in_dim3A_78 = vector.broadcast %jit3A_75 : f32 to vector<32x128xf32>
      %select_n3A_79 = arith.select %broadcast_in_dim3A_77, %slice3A, %broadcast_in_dim3A_78 : vector<32x128xi1>, vector<32x128xf32>
      %add3A_80 = arith.addf %broadcast_in_dim3A_71, %select_n3A_79 : vector<32x128xf32>
      %eq3A_81 = arith.constant 1 : i32
      %eq3A_82 = vector.broadcast %eq3A_81 : i32 to vector<32x1xi32>
      %eq3A_83 = arith.cmpi eq, %select_n3A_70, %eq3A_82 : vector<32x1xi32>
      %slice3A_84 = vector.extract_strided_slice %div3A_39 {offsets = [0, 128], sizes = [32, 128], strides = [1, 1]} : vector<32x1024xf32> to vector<32x128xf32>
      %jit3A_85 = arith.constant 0.000000e+00 : f32
      %broadcast_in_dim3A_86 = vector.shape_cast %eq3A_83 : vector<32x1xi1> to vector<32x1xi1>
      %broadcast_in_dim3A_87 = vector.broadcast %broadcast_in_dim3A_86 : vector<32x1xi1> to vector<32x128xi1>
      %broadcast_in_dim3A_88 = vector.broadcast %jit3A_85 : f32 to vector<32x128xf32>
      %select_n3A_89 = arith.select %broadcast_in_dim3A_87, %slice3A_84, %broadcast_in_dim3A_88 : vector<32x128xi1>, vector<32x128xf32>
      %add3A_90 = arith.addf %add3A_80, %select_n3A_89 : vector<32x128xf32>
      %eq3A_91 = arith.constant 2 : i32
      %eq3A_92 = vector.broadcast %eq3A_91 : i32 to vector<32x1xi32>
      %eq3A_93 = arith.cmpi eq, %select_n3A_70, %eq3A_92 : vector<32x1xi32>
      %slice3A_94 = vector.extract_strided_slice %div3A_39 {offsets = [0, 256], sizes = [32, 128], strides = [1, 1]} : vector<32x1024xf32> to vector<32x128xf32>
      %jit3A_95 = arith.constant 0.000000e+00 : f32
      %broadcast_in_dim3A_96 = vector.shape_cast %eq3A_93 : vector<32x1xi1> to vector<32x1xi1>
      %broadcast_in_dim3A_97 = vector.broadcast %broadcast_in_dim3A_96 : vector<32x1xi1> to vector<32x128xi1>
      %broadcast_in_dim3A_98 = vector.broadcast %jit3A_95 : f32 to vector<32x128xf32>
      %select_n3A_99 = arith.select %broadcast_in_dim3A_97, %slice3A_94, %broadcast_in_dim3A_98 : vector<32x128xi1>, vector<32x128xf32>
      %add3A_100 = arith.addf %add3A_90, %select_n3A_99 : vector<32x128xf32>
      %eq3A_101 = arith.constant 3 : i32
      %eq3A_102 = vector.broadcast %eq3A_101 : i32 to vector<32x1xi32>
      %eq3A_103 = arith.cmpi eq, %select_n3A_70, %eq3A_102 : vector<32x1xi32>
      %slice3A_104 = vector.extract_strided_slice %div3A_39 {offsets = [0, 384], sizes = [32, 128], strides = [1, 1]} : vector<32x1024xf32> to vector<32x128xf32>
      %jit3A_105 = arith.constant 0.000000e+00 : f32
      %broadcast_in_dim3A_106 = vector.shape_cast %eq3A_103 : vector<32x1xi1> to vector<32x1xi1>
      %broadcast_in_dim3A_107 = vector.broadcast %broadcast_in_dim3A_106 : vector<32x1xi1> to vector<32x128xi1>
      %broadcast_in_dim3A_108 = vector.broadcast %jit3A_105 : f32 to vector<32x128xf32>
      %select_n3A_109 = arith.select %broadcast_in_dim3A_107, %slice3A_104, %broadcast_in_dim3A_108 : vector<32x128xi1>, vector<32x128xf32>
      %add3A_110 = arith.addf %add3A_100, %select_n3A_109 : vector<32x128xf32>
      %eq3A_111 = arith.constant 4 : i32
      %eq3A_112 = vector.broadcast %eq3A_111 : i32 to vector<32x1xi32>
      %eq3A_113 = arith.cmpi eq, %select_n3A_70, %eq3A_112 : vector<32x1xi32>
      %slice3A_114 = vector.extract_strided_slice %div3A_39 {offsets = [0, 512], sizes = [32, 128], strides = [1, 1]} : vector<32x1024xf32> to vector<32x128xf32>
      %jit3A_115 = arith.constant 0.000000e+00 : f32
      %broadcast_in_dim3A_116 = vector.shape_cast %eq3A_113 : vector<32x1xi1> to vector<32x1xi1>
      %broadcast_in_dim3A_117 = vector.broadcast %broadcast_in_dim3A_116 : vector<32x1xi1> to vector<32x128xi1>
      %broadcast_in_dim3A_118 = vector.broadcast %jit3A_115 : f32 to vector<32x128xf32>
      %select_n3A_119 = arith.select %broadcast_in_dim3A_117, %slice3A_114, %broadcast_in_dim3A_118 : vector<32x128xi1>, vector<32x128xf32>
      %add3A_120 = arith.addf %add3A_110, %select_n3A_119 : vector<32x128xf32>
      %eq3A_121 = arith.constant 5 : i32
      %eq3A_122 = vector.broadcast %eq3A_121 : i32 to vector<32x1xi32>
      %eq3A_123 = arith.cmpi eq, %select_n3A_70, %eq3A_122 : vector<32x1xi32>
      %slice3A_124 = vector.extract_strided_slice %div3A_39 {offsets = [0, 640], sizes = [32, 128], strides = [1, 1]} : vector<32x1024xf32> to vector<32x128xf32>
      %jit3A_125 = arith.constant 0.000000e+00 : f32
      %broadcast_in_dim3A_126 = vector.shape_cast %eq3A_123 : vector<32x1xi1> to vector<32x1xi1>
      %broadcast_in_dim3A_127 = vector.broadcast %broadcast_in_dim3A_126 : vector<32x1xi1> to vector<32x128xi1>
      %broadcast_in_dim3A_128 = vector.broadcast %jit3A_125 : f32 to vector<32x128xf32>
      %select_n3A_129 = arith.select %broadcast_in_dim3A_127, %slice3A_124, %broadcast_in_dim3A_128 : vector<32x128xi1>, vector<32x128xf32>
      %add3A_130 = arith.addf %add3A_120, %select_n3A_129 : vector<32x128xf32>
      %eq3A_131 = arith.constant 6 : i32
      %eq3A_132 = vector.broadcast %eq3A_131 : i32 to vector<32x1xi32>
      %eq3A_133 = arith.cmpi eq, %select_n3A_70, %eq3A_132 : vector<32x1xi32>
      %slice3A_134 = vector.extract_strided_slice %div3A_39 {offsets = [0, 768], sizes = [32, 128], strides = [1, 1]} : vector<32x1024xf32> to vector<32x128xf32>
      %jit3A_135 = arith.constant 0.000000e+00 : f32
      %broadcast_in_dim3A_136 = vector.shape_cast %eq3A_133 : vector<32x1xi1> to vector<32x1xi1>
      %broadcast_in_dim3A_137 = vector.broadcast %broadcast_in_dim3A_136 : vector<32x1xi1> to vector<32x128xi1>
      %broadcast_in_dim3A_138 = vector.broadcast %jit3A_135 : f32 to vector<32x128xf32>
      %select_n3A_139 = arith.select %broadcast_in_dim3A_137, %slice3A_134, %broadcast_in_dim3A_138 : vector<32x128xi1>, vector<32x128xf32>
      %add3A_140 = arith.addf %add3A_130, %select_n3A_139 : vector<32x128xf32>
      %eq3A_141 = arith.constant 7 : i32
      %eq3A_142 = vector.broadcast %eq3A_141 : i32 to vector<32x1xi32>
      %eq3A_143 = arith.cmpi eq, %select_n3A_70, %eq3A_142 : vector<32x1xi32>
      %slice3A_144 = vector.extract_strided_slice %div3A_39 {offsets = [0, 896], sizes = [32, 128], strides = [1, 1]} : vector<32x1024xf32> to vector<32x128xf32>
      %jit3A_145 = arith.constant 0.000000e+00 : f32
      %broadcast_in_dim3A_146 = vector.shape_cast %eq3A_143 : vector<32x1xi1> to vector<32x1xi1>
      %broadcast_in_dim3A_147 = vector.broadcast %broadcast_in_dim3A_146 : vector<32x1xi1> to vector<32x128xi1>
      %broadcast_in_dim3A_148 = vector.broadcast %jit3A_145 : f32 to vector<32x128xf32>
      %select_n3A_149 = arith.select %broadcast_in_dim3A_147, %slice3A_144, %broadcast_in_dim3A_148 : vector<32x128xi1>, vector<32x128xf32>
      %add3A_150 = arith.addf %add3A_140, %select_n3A_149 : vector<32x128xf32>
      %swap3A = arith.constant 0 : index
      %swap3A_151 = arith.constant 0 : index
      %swap3A_152 = arith.constant 0 : index
      %swap3A_153 = vector.load %arg10[%swap3A, %swap3A_151, %swap3A_152] : memref<1x32x128xf32, #tpu.memory_space<vmem>>, vector<1x32x128xf32>
      %swap3A_154 = vector.shape_cast %swap3A_153 : vector<1x32x128xf32> to vector<32x128xf32>
      %swap3A_155 = vector.shape_cast %add3A_150 : vector<32x128xf32> to vector<1x32x128xf32>
      tpu.vector_store %arg10[%swap3A, %swap3A_151, %swap3A_152], %swap3A_155 {strides = array<i32>} : memref<1x32x128xf32, #tpu.memory_space<vmem>>, vector<1x32x128xf32>,
    } else {
    }
    return
  }
  func.func @transform_0(%arg0: i32, %arg1: i32, %arg2: memref<16xi32, #tpu.memory_space<smem>>) -> (i32, i32, i32) {
    %c0_i32 = arith.constant 0 : i32
    %c0_i32_0 = arith.constant 0 : i32
    %c0_i32_1 = arith.constant 0 : i32
    return %arg0, %c0_i32, %c0_i32_0 : i32, i32, i32
  }
  func.func @transform_1(%arg0: i32, %arg1: i32, %arg2: memref<16xi32, #tpu.memory_space<smem>>) -> (i32, i32, i32, i32) {
    %get3A = arith.index_cast %arg0 : i32 to index
    %get3A_0 = memref.load %arg2[%get3A] : memref<16xi32, #tpu.memory_space<smem>>
    %add3A = arith.constant 512 : i32
    %add3A_1 = arith.addi %get3A_0, %add3A : i32
    %sub3A = arith.constant 1 : i32
    %sub3A_2 = arith.subi %add3A_1, %sub3A : i32
    %jit3A = arith.constant 512 : i32
    %div3A = arith.divsi %sub3A_2, %jit3A : i32
    %sign3A = arith.constant 0 : i32
    %sign3A_3 = arith.cmpi sgt, %sub3A_2, %sign3A : i32
    %sign3A_4 = arith.extui %sign3A_3 : i1 to i32
    %sign3A_5 = arith.constant 0 : i32
    %sign3A_6 = arith.cmpi slt, %sub3A_2, %sign3A_5 : i32
    %sign3A_7 = arith.extui %sign3A_6 : i1 to i32
    %sign3A_8 = arith.subi %sign3A_4, %sign3A_7 : i32
    %sign3A_9 = arith.constant 0 : i32
    %sign3A_10 = arith.cmpi sgt, %jit3A, %sign3A_9 : i32
    %sign3A_11 = arith.extui %sign3A_10 : i1 to i32
    %sign3A_12 = arith.constant 0 : i32
    %sign3A_13 = arith.cmpi slt, %jit3A, %sign3A_12 : i32
    %sign3A_14 = arith.extui %sign3A_13 : i1 to i32
    %sign3A_15 = arith.subi %sign3A_11, %sign3A_14 : i32
    %ne3A = arith.cmpi ne, %sign3A_8, %sign3A_15 : i32
    %rem3A = arith.remsi %sub3A_2, %jit3A : i32
    %ne3A_16 = arith.constant 0 : i32
    %ne3A_17 = arith.cmpi ne, %rem3A, %ne3A_16 : i32
    %and3A = arith.andi %ne3A, %ne3A_17 : i1
    %sub3A_18 = arith.constant 1 : i32
    %sub3A_19 = arith.subi %div3A, %sub3A_18 : i32
    %select_n3A = arith.select %and3A, %sub3A_19, %div3A : i32
    %sub3A_20 = arith.constant 1 : i32
    %sub3A_21 = arith.subi %select_n3A, %sub3A_20 : i32
    %max3A = arith.constant 0 : i32
    %max3A_22 = arith.maxsi %sub3A_21, %max3A : i32
    %min3A = arith.minsi %arg1, %max3A_22 : i32
    %c0_i32 = arith.constant 0 : i32
    %c0_i32_23 = arith.constant 0 : i32
    %c0_i32_24 = arith.constant 0 : i32
    return %arg0, %min3A, %c0_i32, %c0_i32_23 : i32, i32, i32, i32
  }
  func.func @transform_2(%arg0: i32, %arg1: i32, %arg2: memref<16xi32, #tpu.memory_space<smem>>) -> (i32, i32) {
    %c0_i32 = arith.constant 0 : i32
    %c0_i32_0 = arith.constant 0 : i32
    %c0_i32_1 = arith.constant 0 : i32
    return %c0_i32, %c0_i32_0 : i32, i32
  }
  func.func @transform_3(%arg0: i32, %arg1: i32, %arg2: memref<16xi32, #tpu.memory_space<smem>>) -> (i32, i32) {
    %c0_i32 = arith.constant 0 : i32
    %c0_i32_0 = arith.constant 0 : i32
    %c0_i32_1 = arith.constant 0 : i32
    return %c0_i32, %c0_i32_0 : i32, i32
  }
  func.func @transform_4(%arg0: i32, %arg1: i32, %arg2: memref<16xi32, #tpu.memory_space<smem>>) -> (i32, i32) {
    %c0_i32 = arith.constant 0 : i32
    %c0_i32_0 = arith.constant 0 : i32
    %c0_i32_1 = arith.constant 0 : i32
    return %c0_i32, %c0_i32_0 : i32, i32
  }
  func.func @transform_5(%arg0: i32, %arg1: i32, %arg2: memref<16xi32, #tpu.memory_space<smem>>) -> (i32, i32, i32, i32, i32) {
    %get3A = arith.index_cast %arg0 : i32 to index
    %get3A_0 = memref.load %arg2[%get3A] : memref<16xi32, #tpu.memory_space<smem>>
    %add3A = arith.constant 512 : i32
    %add3A_1 = arith.addi %get3A_0, %add3A : i32
    %sub3A = arith.constant 1 : i32
    %sub3A_2 = arith.subi %add3A_1, %sub3A : i32
    %jit3A = arith.constant 512 : i32
    %div3A = arith.divsi %sub3A_2, %jit3A : i32
    %sign3A = arith.constant 0 : i32
    %sign3A_3 = arith.cmpi sgt, %sub3A_2, %sign3A : i32
    %sign3A_4 = arith.extui %sign3A_3 : i1 to i32
    %sign3A_5 = arith.constant 0 : i32
    %sign3A_6 = arith.cmpi slt, %sub3A_2, %sign3A_5 : i32
    %sign3A_7 = arith.extui %sign3A_6 : i1 to i32
    %sign3A_8 = arith.subi %sign3A_4, %sign3A_7 : i32
    %sign3A_9 = arith.constant 0 : i32
    %sign3A_10 = arith.cmpi sgt, %jit3A, %sign3A_9 : i32
    %sign3A_11 = arith.extui %sign3A_10 : i1 to i32
    %sign3A_12 = arith.constant 0 : i32
    %sign3A_13 = arith.cmpi slt, %jit3A, %sign3A_12 : i32
    %sign3A_14 = arith.extui %sign3A_13 : i1 to i32
    %sign3A_15 = arith.subi %sign3A_11, %sign3A_14 : i32
    %ne3A = arith.cmpi ne, %sign3A_8, %sign3A_15 : i32
    %rem3A = arith.remsi %sub3A_2, %jit3A : i32
    %ne3A_16 = arith.constant 0 : i32
    %ne3A_17 = arith.cmpi ne, %rem3A, %ne3A_16 : i32
    %and3A = arith.andi %ne3A, %ne3A_17 : i1
    %sub3A_18 = arith.constant 1 : i32
    %sub3A_19 = arith.subi %div3A, %sub3A_18 : i32
    %select_n3A = arith.select %and3A, %sub3A_19, %div3A : i32
    %sub3A_20 = arith.constant 1 : i32
    %sub3A_21 = arith.subi %select_n3A, %sub3A_20 : i32
    %max3A = arith.constant 0 : i32
    %max3A_22 = arith.maxsi %sub3A_21, %max3A : i32
    %min3A = arith.minsi %arg1, %max3A_22 : i32
    %c0_i32 = arith.constant 0 : i32
    %c0_i32_23 = arith.constant 0 : i32
    %c0_i32_24 = arith.constant 0 : i32
    %c0_i32_25 = arith.constant 0 : i32
    return %arg0, %min3A, %c0_i32, %c0_i32_23, %c0_i32_24 : i32, i32, i32, i32, i32
  }
  func.func @transform_6(%arg0: i32, %arg1: i32, %arg2: memref<16xi32, #tpu.memory_space<smem>>) -> (i32, i32, i32, i32, i32) {
    %get3A = arith.index_cast %arg0 : i32 to index
    %get3A_0 = memref.load %arg2[%get3A] : memref<16xi32, #tpu.memory_space<smem>>
    %add3A = arith.constant 512 : i32
    %add3A_1 = arith.addi %get3A_0, %add3A : i32
    %sub3A = arith.constant 1 : i32
    %sub3A_2 = arith.subi %add3A_1, %sub3A : i32
    %jit3A = arith.constant 512 : i32
    %div3A = arith.divsi %sub3A_2, %jit3A : i32
    %sign3A = arith.constant 0 : i32
    %sign3A_3 = arith.cmpi sgt, %sub3A_2, %sign3A : i32
    %sign3A_4 = arith.extui %sign3A_3 : i1 to i32
    %sign3A_5 = arith.constant 0 : i32
    %sign3A_6 = arith.cmpi slt, %sub3A_2, %sign3A_5 : i32
    %sign3A_7 = arith.extui %sign3A_6 : i1 to i32
    %sign3A_8 = arith.subi %sign3A_4, %sign3A_7 : i32
    %sign3A_9 = arith.constant 0 : i32
    %sign3A_10 = arith.cmpi sgt, %jit3A, %sign3A_9 : i32
    %sign3A_11 = arith.extui %sign3A_10 : i1 to i32
    %sign3A_12 = arith.constant 0 : i32
    %sign3A_13 = arith.cmpi slt, %jit3A, %sign3A_12 : i32
    %sign3A_14 = arith.extui %sign3A_13 : i1 to i32
    %sign3A_15 = arith.subi %sign3A_11, %sign3A_14 : i32
    %ne3A = arith.cmpi ne, %sign3A_8, %sign3A_15 : i32
    %rem3A = arith.remsi %sub3A_2, %jit3A : i32
    %ne3A_16 = arith.constant 0 : i32
    %ne3A_17 = arith.cmpi ne, %rem3A, %ne3A_16 : i32
    %and3A = arith.andi %ne3A, %ne3A_17 : i1
    %sub3A_18 = arith.constant 1 : i32
    %sub3A_19 = arith.subi %div3A, %sub3A_18 : i32
    %select_n3A = arith.select %and3A, %sub3A_19, %div3A : i32
    %sub3A_20 = arith.constant 1 : i32
    %sub3A_21 = arith.subi %select_n3A, %sub3A_20 : i32
    %max3A = arith.constant 0 : i32
    %max3A_22 = arith.maxsi %sub3A_21, %max3A : i32
    %min3A = arith.minsi %arg1, %max3A_22 : i32
    %c0_i32 = arith.constant 0 : i32
    %c0_i32_23 = arith.constant 0 : i32
    %c0_i32_24 = arith.constant 0 : i32
    %c0_i32_25 = arith.constant 0 : i32
    return %arg0, %min3A, %c0_i32, %c0_i32_23, %c0_i32_24 : i32, i32, i32, i32, i32
  }
  func.func @transform_7(%arg0: i32, %arg1: i32, %arg2: memref<16xi32, #tpu.memory_space<smem>>) -> (i32, i32, i32) {
    %c0_i32 = arith.constant 0 : i32
    %c0_i32_0 = arith.constant 0 : i32
    %c0_i32_1 = arith.constant 0 : i32
    return %arg0, %c0_i32, %c0_i32_0 : i32, i32, i32
  }
}

</mosaic_0001>

<sc_bundles>
// kernel: kernel.4.cloned.1.call-start
scs
__scs_entry_jumppad:
0x0: {  	(pc) =	sbr.rel $0x88, $3  }
0x1: {  	(tag) =	ssettag $0x0;
	lr =	simm.s32 $0x1  }
0x2: {  	[smem:$0x3F99] =	sst lr;
	_ =	strace $0xD0000000  }
0x3: {  	_ = 	snop  }
0x4: {  	_ = 	snop  }
0x5: {  	_ = 	snop  }
0x6: {  	_ = 	snop  }
0x7: {  	_ = 	snop  }
__scs_overlays_trampoline_lowered:
0x8: {  	[smem:$0x3FA8] =	sst s0  }
0x9: {  	[smem:$0x3FA9] =	sst s1  }
0xa: {  	[smem:$0x3FAA] =	sst s2  }
0xb: {  	[smem:$0x3FAB] =	sst s3  }
0xc: {  	[smem:$0x3FAC] =	sst s4  }
0xd: {  	[smem:$0x3FAD] =	sst s5  }
0xe: {  	[smem:$0x3FAE] =	sst s6  }
0xf: {  	[smem:$0x3FAF] =	sst s7  }
0x10: {  	[smem:$0x3FB0] =	sst s8  }
0x11: {  	[smem:$0x3FB1] =	sst s9;
	s0 =	simm.s32 @!p0 $0x0  }
0x12: {  	s1 =	sld [smem:$0x3F97];
	s0 =	simm.s32 @p0 $0x1  }
0x13: {  	[smem:$0x3FB2] =	sst s0;
	s0 =	simm.s32 @!p1 $0x0  }
0x14: {  	s2 =	sld [smem:$0x3F96];
	s0 =	simm.s32 @p1 $0x1  }
0x15: {  	[smem:$0x3FB3] =	sst s0;
	s0 =	simm.s32 @!p2 $0x0  }
0x16: {  	s3 =	sld [smem:$0x3FDB];
	s0 =	simm.s32 @p2 $0x1  }
0x17: {  	s4 =	simm.s32 $0x1BF5;
	[smem:$0x3FB5] =	sst s0  }
0x18: {  	s0 =	sld [smem:$0x3F98];
	_ =	swait.ge [sflag:s4], $0x0  }
0x19: {  	s7 =	sld [smem:$0x3F99]  }
0x1a: {  	s8 =	sadd.s32 $0xFFFFE003, lr  }
0x1b: {  	s9 =	sadd.s32 $0xFFFFFEF7, lr;
	s5 =	simm.s32 $0xFFFFFFFF;
	p2 =	slt.u32 s8, $0xFFFFF086  }
0x1c: {  	p1 =	slt.u32 s9, $0xF7A;
	s5 =	simm.s32 @!p2 $0x0  }
0x1d: {  	s5 =	simm.s32 @p1 $0x1;
	p0 =	seq.s32 s7, s2  }
0x1e: {  	s7 =	smul.u32 @!p0 $0xF7A, s2;
	p2 =	seq.s32 @!p0 s5, $0x0  }
0x1f: {  	s9 =	smul.u32 $0xF7A, s1;
	s8 =	simm.s32 @!p0 $0x1BF5;
	p2 =	por !p2, p0  }
0x20: {  	[sflag:s8] =	ssyncset.s32 @!p0 $0xFFFFF086;
	s6 =	sadd.s32 @!p0 s3, s7;
	s7 =	simm.s32 @!p0 $0x108  }
0x21: {  	s3 =	sadd.s32 s3, s9;
	s6 =	sadd.s32 @!p0 $0x88, s6;
	s7 =	simm.s32 @p2 $0x1082  }
0x22: {  	[simem:s7], [sflag:s8] =	dma.local @!p0 [hbm:s6], $0xF7A  }
0x23: {  	s9 =	sor.u32 $0xD0000000, s2;
	s6 =	simm.s32 $0x108;
	_ =	swait.ge @!p0 [sflag:s8], $0x0  }
0x24: {  	s3 =	sadd.s32 $0x88, s3;
	s6 =	simm.s32 @!p1 $0x1082;
	[sflag:s4] =	ssyncset.s32 $0xFFFFF086  }
0x25: {  	[simem:s6], [sflag:s4] =	dma.local [hbm:s3], $0xF7A  }
0x26: {  	[smem:$0x3F99] =	sst s1;
	(tag) =	ssettag s2;
	_ =	strace s9  }
0x27: {  	s1 =	sld [smem:$0x3FA9]  }
0x28: {  	s2 =	sld [smem:$0x3FAA]  }
0x29: {  	s4 =	sld [smem:$0x3FAC]  }
0x2a: {  	p0 =	seq.s32 s5, $0x0;
	s5 =	sld [smem:$0x3FAD]  }
0x2b: {  	s6 =	sld [smem:$0x3FAE]  }
0x2c: {  	s7 =	sld [smem:$0x3FAF]  }
0x2d: {  	s3 =	simm.s32 $0x108;
	s8 =	sld [smem:$0x3FB0]  }
0x2e: {  	s3 =	simm.s32 @!p0 $0x1082;
	s9 =	sld [smem:$0x3FB1]  }
0x2f: {  	lr =	sadd.s32 s0, s3;
	s0 =	sld [smem:$0x3FA8]  }
0x30: {  	s3 =	sld [smem:$0x3FAB]  }
0x31: {  	[smem:$0x3FB4] =	sst s10  }
0x32: {  	s10 =	sld [smem:$0x3FB2];
	_ =	sdelay $0x3  }
0x33: {  	p0 =	seq.s32 s10, $0x1;
	s10 =	sld [smem:$0x3FB4];
	_ =	sdelay $0x3  }
0x34: {  	[smem:$0x3FB4] =	sst s10  }
0x35: {  	s10 =	sld [smem:$0x3FB3];
	_ =	sdelay $0x3  }
0x36: {  	p1 =	seq.s32 s10, $0x1;
	s10 =	sld [smem:$0x3FB4];
	_ =	sdelay $0x3  }
0x37: {  	[smem:$0x3FB4] =	sst s10  }
0x38: {  	s10 =	sld [smem:$0x3FB5]  }
0x39: {  	_ = 	snop;
	(pc) =	sbr.ind lr, $3  }
0x3a: {  	_ = 	snop  }
0x3b: {  	_ = 	snop  }
0x3c: {  	p2 =	seq.s32 s10, $0x1;
	s10 =	sld [smem:$0x3FB4]  }
0x3d: {  	_ =	shalt  }
0x3e: {  	_ =	shalt  }
0x3f: {  	_ =	shalt  }
0x40: {  	_ =	shalt  }
0x41: {  	_ =	shalt  }
0x42: {  	_ =	shalt  }
0x43: {  	_ =	shalt  }
0x44: {  	_ =	shalt  }
0x45: {  	_ =	shalt  }
0x46: {  	_ =	shalt  }
0x47: {  	_ =	shalt  }
0x48: {  	_ =	shalt  }
0x49: {  	_ =	shalt  }
0x4a: {  	_ =	shalt  }
0x4b: {  	_ =	shalt  }
0x4c: {  	_ =	shalt  }
0x4d: {  	_ =	shalt  }
0x4e: {  	_ =	shalt  }
0x4f: {  	_ =	shalt  }
0x50: {  	_ =	shalt  }
0x51: {  	_ =	shalt  }
0x52: {  	_ =	shalt  }
0x53: {  	_ =	shalt  }
0x54: {  	_ =	shalt  }
0x55: {  	_ =	shalt  }
0x56: {  	_ =	shalt  }
0x57: {  	_ =	shalt  }
0x58: {  	_ =	shalt  }
0x59: {  	_ =	shalt  }
0x5a: {  	_ =	shalt  }
0x5b: {  	_ =	shalt  }
0x5c: {  	_ =	shalt  }
0x5d: {  	_ =	shalt  }
0x5e: {  	_ =	shalt  }
0x5f: {  	_ =	shalt  }
0x60: {  	_ =	shalt  }
0x61: {  	_ =	shalt  }
0x62: {  	_ =	shalt  }
0x63: {  	_ =	shalt  }
0x64: {  	_ =	shalt  }
0x65: {  	_ =	shalt  }
0x66: {  	_ =	shalt  }
0x67: {  	_ =	shalt  }
0x68: {  	_ =	shalt  }
0x69: {  	_ =	shalt  }
0x6a: {  	_ =	shalt  }
0x6b: {  	_ =	shalt  }
0x6c: {  	_ =	shalt  }
0x6d: {  	_ =	shalt  }
0x6e: {  	_ =	shalt  }
0x6f: {  	_ =	shalt  }
0x70: {  	_ =	shalt  }
0x71: {  	_ =	shalt  }
0x72: {  	_ =	shalt  }
0x73: {  	_ =	shalt  }
0x74: {  	_ =	shalt  }
0x75: {  	_ =	shalt  }
0x76: {  	_ =	shalt  }
0x77: {  	_ =	shalt  }
0x78: {  	_ =	shalt  }
0x79: {  	_ =	shalt  }
0x7a: {  	_ =	shalt  }
0x7b: {  	_ =	shalt  }
0x7c: {  	_ =	shalt  }
0x7d: {  	_ =	shalt  }
0x7e: {  	_ =	shalt  }
0x7f: {  	_ =	shalt  }
0x80: {  	_ =	shalt  }
0x81: {  	_ =	shalt  }
0x82: {  	_ =	shalt  }
0x83: {  	_ =	shalt  }
0x84: {  	_ =	shalt  }
0x85: {  	_ =	shalt  }
0x86: {  	_ =	shalt  }
0x87: {  	_ =	shalt  }
.Lfunc_end0:
.L_simem_size_0:
called_computation_lowered:
.L_overlay_start_0:
0x88: {  	s2 =	sld [smem:$0x3FD9]  }
0x89: {  	s3 =	sld [smem:$0x3FFE];
	_ =	sdelay $0x1  }
0x8a: {  	s1 =	srdreg.scid  }
0x8b: {  	s0 =	sand.u32 $0x1, s1  }
0x8c: {  	s17 =	sshll.u32 s0, $0xA;
	s2 =	sadd.s32 s3, s2  }
0x8d: {  	s2 =	sadd.s32 s2, s17  }
0x8e: {  	[smem:$0x3FC0] =	sst s2  }
0x8f: {  	_ = 	snop  }
0x90: {  	s2 =	sld [smem:$0x3FC6]  }
0x91: {  	s18 =	sld [smem:$0x3FC5]  }
0x92: {  	s4 =	sld [smem:$0x3FC2]  }
0x93: {  	s5 =	sld [smem:$0x3FD0];
	(tm) =	ssettm $0x1  }
0x94: {  	s6 =	sld [smem:$0x3FFB];
	_ =	sdelay $0x3  }
0x95: {  	_ =	strace s6  }
0x96: {  	s6 =	sld [smem:$0x3FFC];
	_ =	sdelay $0x3  }
0x97: {  	_ =	strace s6  }
0x98: {  	s6 =	sld [smem:$0x3FFD];
	_ =	sdelay $0x3  }
0x99: {  	_ =	strace s6  }
0x9a: {  	_ =	strace $0x8FFFFFFF  }
0x9b: {  	s19 =	sld [smem:$0x3FDB];
	_ =	sdelay $0x1  }
0x9c: {  	s7 =	simm.s32 $_scs_section_size  }
0x9d: {  	s8 =	simm.s32 $_size__tile_overlayer_lowered;
	s9 =	simm.s32 $_tile_overlayer_lowered  }
0x9e: {  	s22 =	simm.s32 $0x1BFF;
	s21 =	sshll.u32 s9, $0x1;
	s6 =	sadd.s32 s7, s19  }
0x9f: {  	s10 =	simm.s32 $0x0;
	s20 =	sshll.u32 s8, $0x1;
	s8 =	sadd.s32 s21, s6  }
0xa0: {  	[timem:s10], [sflag:s22] =	dma.local [hbm:s8], s20  }
0xa1: {  	_ =	swait.ge [sflag:s22], s20  }
0xa2: {  	s7 =	ssub.s32 $0x0, s20;
	[sflag:s22] =	ssyncset.done $0x0  }
0xa3: {  	[sflag:s22] =	ssyncadd.s32 s7;
	_ =	sdelay $0x1  }
0xa4: {  	s23 =	simm.s32 $0x1B8B  }
0xa5: {  	_ =	swait.ge [sflag:s23], $0x1  }
0xa6: {  	[sflag:s23] =	ssyncset.done $0x0  }
0xa7: {  	s25 =	simm.s32 $0x1B8E;
	s24 =	sld [smem:$0x3FFE];
	[sflag:s23] =	ssyncadd.s32 $0xFFFFFFFF  }
0xa8: {  	s26 =	simm.s32 $execute0_lowered;
	[smem:$0x3FD2] =	sst s25  }
0xa9: {  	s8 =	sshll.u32 s26, $0x1;
	_ =	strace $0x80000046;
	[dreg:$0x1] =	wrdreg $0xFFFFFFFF  }
0xaa: {  	s28 =	simm.s32 $_size_execute0_lowered;
	s6 =	sadd.s32 s6, s8;
	[dreg:$0x0] =	wrdreg $0x0  }
0xab: {  	s8 =	sshll.u32 s28, $0x1;
	[dreg:$0x2] =	wrdreg s6  }
0xac: {  	[dreg:$0x3] =	wrdreg s8  }
0xad: {  	[dreg:$0x4] =	wrdreg $0xC0  }
0xae: {  	_ =	task [dreg:s10], $0x5FFFF  }
0xaf: {  	[dreg:$0x1] =	wrdreg $0xFFFFFFFF  }
0xb0: {  	[dreg:$0x0] =	wrdreg $0x60  }
0xb1: {  	[dreg:$0x2] =	wrdreg s2  }
0xb2: {  	[dreg:$0x3] =	wrdreg s18  }
0xb3: {  	[dreg:$0x4] =	wrdreg s5  }
0xb4: {  	[dreg:$0x5] =	wrdreg s4  }
0xb5: {  	[dreg:$0x6] =	wrdreg s24  }
0xb6: {  	[dreg:$0x7] =	wrdreg $0x9  }
0xb7: {  	_ =	task.clear_ibuf [dreg:s10], $0x8FFFF;
	_ =	strace $0x90000046  }
0xb8: {  	s29 =	simm.s32 $0x9;
	_ =	strace $0x80000048  }
0xb9: {  	_ =	swait.ge [sflag:s29], $0x1  }
0xba: {  	[sflag:s29] =	ssyncadd.s32 $0xFFFFFFFF  }
0xbb: {  	_ =	strace $0x90000048  }
0xbc: {  	_ =	sfence  }
0xbd: {  	s30 =	sld [smem:$0x0];
	_ =	sdelay $0x2  }
0xbe: {  	s31 =	sshll.u32 s1, $0xD;
	s1 =	sshrl.u32 s1, $0x2  }
0xbf: {  	s3 =	sand.u32 $0x4000, s31;
	s1 =	sadd.s32 s1, s30  }
0xc0: {  	s0 =	sor.u32 s3, s0;
	s1 =	sshll.u32 s1, $0x11  }
0xc1: {  	s0 =	sor.u32 s1, s0  }
0xc2: {  	s0 =	sadd.s32 $0x8F2B, s0  }
0xc3: {  	[sflag:s0] =	ssyncadd.remote.s32 $0x1  }
0xc4: {  	_ =	sfence.sel $0xFFFF  }
0xc5: {  	[dreg:$0x0] =	wrdreg $0xFFFFFFFF;
	(pc) =	sbr.abs _section_cstart, $3  }
0xc6: {  	[dreg:$0x1] =	wrdreg $0xFFFFFFFF  }
0xc7: {  	_ =	task.clear_ibuf [dreg:s10], $0x2FFFF;
	_ =	strace $0x9FFFFFFF  }
0xc8: {  	(tm) =	ssettm $0x7FFFFFFF  }
0xc9: {  	_ =	shalt  }
tec
execute0_lowered:
.L_overlay_start_1:
0x0: {  	(tag) =	ssettag $0x1  }
0x1: {  	s0 =	rddreg [dreg:$0x0]  }
0x2: {  	s2 =	rddreg [dreg:$0x1]  }
0x3: {  	s1 =	srdreg.scid;
	s10 =	rddreg [dreg:$0x2]  }
0x4: {  	s30 =	stileid.u32;
	s5 =	rddreg [dreg:$0x3]  }
0x5: {  	s9 =	rddreg [dreg:$0x4];
	s6 =	simm.s32 $0x0;
	s7 =	simm.s32 $0x1  }
0x6: {  	s14 =	simm.s32 $0x800;
	s15 =	simm.s32 $0x5;
	s16 =	simm.s32 $0x10  }
0x7: {  	s17 =	simm.s32 $0x4880;
	s18 =	simm.s32 $0xC880;
	s3 =	sand.u32 $0x1, s1  }
0x8: {  	s19 =	simm.s32 $0x4;
	s20 =	simm.s32 $0x3;
	s4 =	sor.u32 s3, s30  }
0x9: {  	s21 =	simm.s32 $0x880;
	p1 =	seq.s32 s3, $0x1;
	p0 =	seq.s32 s4, $0x0  }
0xa: {  	s22 =	simm.s32 $0x8880;
	s23 =	simm.s32 $0x0;
	p0 =	por !p0, !p1  }
0xb: {  	[smem:$0x7FF] =	sst s6;
	s8 =	sadd.s32 $0x1600, s9;
	p0 =	por !p0, !p0  }
.Ltmp0:
0xc: {  	s11 =	ssub.s32 $0x2, s3;
	s7 =	simm.s32 @!p0 $0x0;
	(pc) =	sbr.rel .LBB2_1-.Ltmp0, $4  }
0xd: {  	s9 =	sadd.s32 $0x401600, s9;
	s12 =	sshrl.u32 s11, $0x1;
	s7 =	ssub.s32 s30, s7  }
0xe: {  	_ =	strace $0x80000047;
	s11 =	ssub.s32 s11, s12;
	s13 =	sshll.u32 s7, $0x8  }
0xf: {  	s11 =	smax.u32 s11, $0x1;
	p0 =	seq.s32 s3, $0x0;
	s31 =	sand.u32 $0x1FFFFF00, s13  }
0x10: {  	s12 =	sshll.u32 s7, $0x12;
	s13 =	sshll.u32 s3, $0x7;
	s10 =	sadd.s32 s10, s31  }
.LBB2_11:
0x11: {  	s1 =	sand.u32 $0x1, s24  }
0x12: {  	p1 =	seq.s32 s1, $0x1;
	s1 =	simm.s32 $0x4  }
0x13: {  	s1 =	simm.s32 @!p1 $0x3  }
0x14: {  	_ =	swait.ge [sflag:s1], $0x4000  }
0x15: {  	[sflag:s1] =	ssyncset.done $0x0  }
0x16: {  	[sflag:s1] =	ssyncadd.s32 $0xFFFFC000  }
0x17: {  	_ =	swait.ge [sflag:s1], $0x4000  }
0x18: {  	s24 =	simm.s32 $0x3;
	[sflag:s1] =	ssyncset.done $0x0  }
0x19: {  	s24 =	simm.s32 @!p1 $0x4;
	[sflag:s1] =	ssyncadd.s32 $0xFFFFC000  }
.LBB2_13:
0x1a: {  	_ =	swait.ge [sflag:s24], $0x4000  }
0x1b: {  	[sflag:s24] =	ssyncset.done $0x0  }
0x1c: {  	[sflag:s24] =	ssyncadd.s32 $0xFFFFC000  }
0x1d: {  	_ =	swait.ge [sflag:s24], $0x4000  }
0x1e: {  	[sflag:s24] =	ssyncset.done $0x0  }
0x1f: {  	[sflag:s24] =	ssyncadd.s32 $0xFFFFC000  }
.LBB2_14:
0x20: {  	s23 =	sadd.s32 $0x1, s23  }
0x21: {  	p1 =	sne.s32 s23, s11  }
.Ltmp1:
0x22: {  	_ = 	snop;
	(pc) =	sbr.rel @!p1 .LBB2_15-.Ltmp1, $1  }
0x23: {  	_ =	sdelay $0x3  }
.LBB2_1:
0x24: {  	[tilespmem:s14], [sflag:$0x5] =	stream.linear.gather [hbm4b:s5+s6], $0x10, $0x38;
	[tilespmem:$0x10880] =	vst v63  }
0x25: {  	_ =	swait.ge [sflag:s15], $0x10  }
0x26: {  	[sflag:s15] =	ssyncset.done $0x0  }
0x27: {  	[sflag:s15] =	ssyncadd.s32 $0xFFFFFFF0  }
0x28: {  	v0 =	vld [tilespmem:s7+$0x800];
	_ =	sdelay $0x4  }
0x29: {  	(v2sf) =	vpush v0, $0x0;
	_ =	sdelay $0xd  }
0x2a: {  	[tilespmem:s6], [sflag:$0x5] =	stream.linear.gather [hbm4b:s10+s6], $0x800, $0x38;
	[tilespmem:$0x10880] =	vst v63  }
0x2b: {  	s24 =	spop (v2sf)  }
0x2c: {  	s26 =	simm.s32 $0x1;
	s25 =	sadd.s32 $0x1, s24;
	p1 =	slt.u32 s24, $0x7FFFFFFF  }
0x2d: {  	s26 =	simm.s32 @!p1 $0x0;
	s28 =	sshra.s32 s25, $0x1F  }
0x2e: {  	s26 =	sadd.s32 s26, s28;
	s28 =	sand.u32 $0x1, s25  }
0x2f: {  	p4 =	sne.s32 s26, $0x1;
	p2 =	seq.s32 s28, $0x1  }
0x30: {  	s30 =	sshrl.u32 s25, $0x1F;
	p1 =	por !p4, !p2  }
0x31: {  	s25 =	sadd.s32 s30, s25;
	s26 =	simm.s32 $0x1;
	p1 =	por !p1, !p1  }
0x32: {  	s25 =	sshra.s32 s25, $0x1;
	s26 =	simm.s32 @!p1 $0x0  }
0x33: {  	s25 =	ssub.s32 s25, s26  }
0x34: {  	s26 =	sadd.s32 $0x7, s25  }
0x35: {  	s28 =	sand.u32 $0x7, s26  }
0x36: {  	p5 =	slt.s32 s25, $0xFFFFFFFA;
	s29 =	sshra.s32 s26, $0x1F;
	p6 =	sne.s32 s28, $0x0  }
0x37: {  	s31 =	sshrl.u32 s29, $0x1D;
	p1 =	por !p5, !p6  }
0x38: {  	s25 =	sadd.s32 s31, s26;
	s26 =	simm.s32 $0x1;
	p1 =	por !p1, !p1  }
0x39: {  	s25 =	sshrl.u32 s25, $0x3;
	s26 =	simm.s32 @!p1 $0x0  }
0x3a: {  	s25 =	ssub.s32 s25, s26  }
0x3b: {  	s26 =	sshll.u32 s25, $0x3  }
0x3c: {  	p1 =	slt.s32 s26, $0x400  }
0x3d: {  	s26 =	simm.s32 @!p1 $0x400  }
0x3e: {  	s25 =	smul.u32 s3, s26  }
0x3f: {  	s24 =	smov.u32 @p0 s26  }
0x40: {  	_ =	swait.ge [sflag:s15], $0x800;
	p1 =	sle.s32 s24, s25  }
0x41: {  	[sflag:s15] =	ssyncset.done $0x0;
	p2 =	slt.s32 @!p1 s25, $0x7F0  }
0x42: {  	[sflag:s15] =	ssyncadd.s32 $0xFFFFF800;
	s28 =	smov.u32 s25;
	p2 =	por !p2, p1  }
0x43: {  	s29 =	simm.s32 @!p1 $0x10;
	s30 =	simm.s32 @!p1 $0x880;
	s28 =	simm.s32 @p2 $0x7F0  }
0x44: {  	[tilespmem:s30], [sflag:$0x1] =	stream.indirect.gather @!p1 [hbm4b:s0+s29], $0x400, s28, s29, $0xb8;
	[tilespmem:$0x10880] =	vst v63  }
.Ltmp2:
0x45: {  	s30 =	simm.s32 @!p1 $0x8880;
	(pc) =	sbr.rel .LBB2_2-.Ltmp2, $3  }
0x46: {  	[tilespmem:s30], [sflag:$0x1] =	stream.indirect.gather @!p1 [hbm4b:s2+s29], $0x400, s28, s29, $0xb8;
	[tilespmem:$0x10880] =	vst v63  }
0x47: {  	s28 =	smul.u32 s26, s13;
	_ =	sdelay $0x1  }
0x48: {  	s26 =	sadd.s32 $0x10, s25;
	s29 =	simm.s32 $0x1;
	s28 =	sadd.s32 s28, s12  }
.LBB2_6:
0x49: {  	_ =	swait.ge [sflag:s19], $0x4000  }
0x4a: {  	[sflag:s19] =	ssyncset.done $0x0  }
0x4b: {  	[sflag:s19] =	ssyncadd.s32 $0xFFFFC000  }
0x4c: {  	_ =	swait.ge [sflag:s19], $0x4000  }
0x4d: {  	[sflag:s19] =	ssyncset.done $0x0  }
0x4e: {  	[sflag:s19] =	ssyncadd.s32 $0xFFFFC000  }
.LBB2_7:
0x4f: {  	[tilespmem:s17], [sflag:$0x2] =	stream.indirect.gather [hbm4b:s0+s16], $0x400, s30, s16, $0xb8;
	[tilespmem:$0x10880] =	vst v63  }
0x50: {  	_ = 	snop  }
0x51: {  	[tilespmem:s18], [sflag:$0x2] =	stream.indirect.gather [hbm4b:s2+s16], $0x400, s30, s16, $0xb8;
	[tilespmem:$0x10880] =	vst v63  }
.LBB2_8:
0x52: {  	s30 =	sadd.s32 $0xFFFFFFFF, s29  }
0x53: {  	s30 =	sand.u32 $0x1, s30  }
0x54: {  	p1 =	sne.s32 s30, $0x0  }
0x55: {  	s30 =	simm.s32 @p1 $0x2  }
0x56: {  	_ =	swait.ge @p1 [sflag:s30], $0x4000  }
0x57: {  	[sflag:s30] =	ssyncset.done @p1 $0x0  }
0x58: {  	[sflag:s30] =	ssyncadd.s32 @p1 $0xFFFFC000  }
0x59: {  	s31 =	sand.u32 $0x1FFFFF80, s28;
	_ =	swait.ge @p1 [sflag:s30], $0x4000  }
0x5a: {  	s4 =	sadd.s32 s8, s31;
	[sflag:s30] =	ssyncset.done @p1 $0x0  }
0x5b: {  	s1 =	simm.s32 @p1 $0x4880;
	[sflag:s30] =	ssyncadd.s32 @p1 $0xFFFFC000;
	s30 =	simm.s32 @p1 $0x0  }
0x5c: {  	[hbm4b:s4+s30] =	stream.linear.scatter @p1 [tilespmem:s1], [sflag:$0x4], $0x4000, $0x38;
	[tilespmem:$0x10880] =	vst v63  }
0x5d: {  	s1 =	sadd.s32 s9, s31;
	s31 =	simm.s32 @p1 $0xC880  }
0x5e: {  	[hbm4b:s1+s30] =	stream.linear.scatter @p1 [tilespmem:s31], [sflag:$0x4], $0x4000, $0x38;
	[tilespmem:$0x10880] =	vst v63  }
0x5f: {  	s30 =	simm.s32 @!p1 $0x1  }
0x60: {  	_ =	swait.ge @!p1 [sflag:s30], $0x4000  }
0x61: {  	[sflag:s30] =	ssyncset.done @!p1 $0x0  }
0x62: {  	[sflag:s30] =	ssyncadd.s32 @!p1 $0xFFFFC000  }
0x63: {  	_ =	swait.ge @!p1 [sflag:s30], $0x4000  }
0x64: {  	[sflag:s30] =	ssyncset.done @!p1 $0x0  }
0x65: {  	s31 =	simm.s32 @!p1 $0x880;
	[sflag:s30] =	ssyncadd.s32 @!p1 $0xFFFFC000;
	s30 =	simm.s32 @!p1 $0x0  }
0x66: {  	[hbm4b:s4+s30] =	stream.linear.scatter @!p1 [tilespmem:s31], [sflag:$0x3], $0x4000, $0x38;
	[tilespmem:$0x10880] =	vst v63  }
0x67: {  	s4 =	simm.s32 @!p1 $0x8880  }
0x68: {  	[hbm4b:s1+s30] =	stream.linear.scatter @!p1 [tilespmem:s4], [sflag:$0x3], $0x4000, $0x38;
	[tilespmem:$0x10880] =	vst v63  }
.LBB2_9:
0x69: {  	s29 =	sadd.s32 $0x1, s29  }
0x6a: {  	p1 =	sne.s32 s29, $0x41  }
.Ltmp3:
0x6b: {  	_ = 	snop;
	(pc) =	sbr.rel @!p1 .LBB2_10-.Ltmp3, $2  }
0x6c: {  	_ =	sdelay $0x2  }
0x6d: {  	s26 =	sadd.s32 $0x10, s26;
	s28 =	sadd.s32 $0x800, s28  }
.LBB2_2:
0x6e: {  	s30 =	sadd.s32 $0xFFFFFFF0, s26  }
0x6f: {  	p1 =	sge.s32 s30, s24  }
.Ltmp4:
0x70: {  	_ = 	snop;
	(pc) =	sbr.rel @p1 .LBB2_9-.Ltmp4, $1  }
0x71: {  	_ =	sdelay $0x3  }
0x72: {  	p1 =	sge.s32 s26, s24  }
.Ltmp5:
0x73: {  	_ = 	snop;
	(pc) =	sbr.rel @p1 .LBB2_8-.Ltmp5, $1  }
0x74: {  	_ =	sdelay $0x3  }
0x75: {  	p1 =	sne.s32 s29, $0x1  }
.Ltmp6:
0x76: {  	_ = 	snop;
	(pc) =	sbr.rel @!p1 .LBB2_7-.Ltmp6, $3  }
0x77: {  	_ =	sdelay $0x1  }
0x78: {  	p2 =	slt.s32 s26, $0x7F0;
	s30 =	smov.u32 s26  }
0x79: {  	s30 =	simm.s32 @!p2 $0x7F0  }
0x7a: {  	s31 =	sand.u32 $0x1, s29  }
0x7b: {  	p1 =	seq.s32 s31, $0x0  }
.Ltmp7:
0x7c: {  	_ = 	snop;
	(pc) =	sbr.rel @!p1 .LBB2_6-.Ltmp7, $1  }
0x7d: {  	_ =	sdelay $0x3  }
0x7e: {  	_ =	swait.ge [sflag:s20], $0x4000  }
0x7f: {  	[sflag:s20] =	ssyncset.done $0x0  }
0x80: {  	[sflag:s20] =	ssyncadd.s32 $0xFFFFC000  }
0x81: {  	_ =	swait.ge [sflag:s20], $0x4000  }
.Ltmp8:
0x82: {  	[sflag:s20] =	ssyncset.done $0x0;
	(pc) =	sbr.rel .LBB2_8-.Ltmp8, $4  }
0x83: {  	[sflag:s20] =	ssyncadd.s32 $0xFFFFC000  }
0x84: {  	[tilespmem:s21], [sflag:$0x1] =	stream.indirect.gather [hbm4b:s0+s16], $0x400, s30, s16, $0xb8;
	[tilespmem:$0x10880] =	vst v63  }
0x85: {  	_ = 	snop  }
0x86: {  	[tilespmem:s22], [sflag:$0x1] =	stream.indirect.gather [hbm4b:s2+s16], $0x400, s30, s16, $0xb8;
	[tilespmem:$0x10880] =	vst v63  }
.LBB2_10:
0x87: {  	s1 =	ssub.s32 s24, s25  }
0x88: {  	s1 =	sadd.s32 $0xF, s1  }
0x89: {  	s4 =	sand.u32 $0xF, s1  }
0x8a: {  	s30 =	sshra.s32 s1, $0x1F;
	p1 =	slt.s32 s1, $0x1;
	p2 =	sne.s32 s4, $0x0  }
0x8b: {  	s31 =	sshrl.u32 s30, $0x1C;
	p1 =	por !p1, !p2  }
0x8c: {  	s4 =	simm.s32 $0x1;
	s1 =	sadd.s32 s31, s1;
	p1 =	por !p1, !p1  }
0x8d: {  	s1 =	sshra.s32 s1, $0x4;
	s4 =	simm.s32 @!p1 $0x0  }
0x8e: {  	s24 =	ssub.s32 s1, s4  }
0x8f: {  	p1 =	slt.s32 s24, $0x2  }
.Ltmp9:
0x90: {  	_ = 	snop;
	(pc) =	sbr.rel @!p1 .LBB2_11-.Ltmp9, $1  }
0x91: {  	_ =	sdelay $0x3  }
0x92: {  	p1 =	sne.s32 s24, $0x1  }
.Ltmp10:
0x93: {  	_ = 	snop;
	(pc) =	sbr.rel @p1 .LBB2_14-.Ltmp10, $4  }
.Ltmp11:
0x94: {  	_ = 	snop;
	(pc) =	sbr.rel @!p1 .LBB2_13-.Ltmp11, $4  }
0x95: {  	_ = 	snop  }
0x96: {  	_ = 	snop  }
0x97: {  	s24 =	simm.s32 $0x3  }
0x98: {  	_ = 	snop  }
.LBB2_15:
0x99: {  	_ =	sfence.sel $0x180000  }
0x9a: {  	[bflag:$0x0] =	sbarrier.arrive $0xFFFF  }
0x9b: {  	_ =	strace $0x90000047  }
0x9c: {  	s0 =	stileid.u32;
	[bflag:$0x2] =	sbarrier.arrive $0xFFFF  }
0x9d: {  	p0 =	sne.s32 s0, $0x0;
	s0 =	rddreg [dreg:$0x5]  }
0x9e: {  	s0 =	sadd.s32 @!p0 $0x100000, s0  }
0x9f: {  	[sflag:s0] =	ssyncadd.tile.s32 @!p0 $0x1;
	_ =	shalt  }
.Lfunc_end2:
_tile_overlayer_lowered:
.L_overlay_start_2:
0xa0: {  	(tag) =	ssettag $0x2  }
0xa1: {  	s0 =	rddreg [dreg:$0x0];
	s2 =	stileid.u32  }
0xa2: {  	s1 =	rddreg [dreg:$0x1];
	p0 =	sne.s32 s2, $0x0  }
0xa3: {  	s3 =	rddreg [dreg:$0x2];
	[bflag:$0x3] =	sbarrier.arrive $0xFFFF;
	s2 =	simm.s32 @!p0 $0x1C05  }
0xa4: {  	[timem:s3], [sflag:s2] =	dma.local @!p0 [hbm:s0], s1  }
0xa5: {  	s0 =	simm.s32 @!p0 $0x5  }
0xa6: {  	_ =	swait.ge @!p0 [sflag:s0], s1  }
0xa7: {  	s1 =	ssub.s32 @!p0 $0x0, s1;
	[sflag:s0] =	ssyncset.done @!p0 $0x0  }
0xa8: {  	[sflag:s0] =	ssyncadd.s32 @!p0 s1  }
0xa9: {  	[bflag:$0x3] =	sbarrier.arrive $0xFFFF  }
0xaa: {  	_ =	shalt  }

</sc_bundles>
